<compile_context>
chip_gen: v7x
topology: tpu7x:2x2x1
jax: 0.10.2.dev20260603
libtpu: 0.0.44.dev20260713+nightly
codegen_flags: <defaults>
</compile_context>

<pallas_src>
import functools

import jax
import jax.numpy as jnp
from jax import lax
from jax.experimental import pallas as pl
from jax.experimental.pallas import tpu as pltpu
from jax.experimental.pallas import tpu_sc as plsc

VOCAB = 32
EMBED_DIM = 8
BATCH = 4
SEQ = 8192

_NC = 2
_NS = 16
_NW = _NC * _NS
_TOTAL = BATCH * SEQ
_PER_W = _TOTAL // _NW
_LANES = 16
_GROUPS = _PER_W // _LANES


def _table_body(embed_ref, wt_ref, b_ref, out_ref):
    out_ref[...] = (
        jnp.dot(embed_ref[...], wt_ref[...], preferred_element_type=jnp.float32)
        + b_ref[...]
    )


_table_call = pl.pallas_call(
    _table_body,
    out_shape=jax.ShapeDtypeStruct((VOCAB, VOCAB), jnp.float32),
)


_sc_mesh = plsc.VectorSubcoreMesh(
    core_axis_name="c", subcore_axis_name="s", num_cores=_NC
)


@functools.partial(
    pl.kernel,
    mesh=_sc_mesh,
    out_type=jax.ShapeDtypeStruct((_NW, _PER_W * VOCAB), jnp.float32),
    scratch_types=[
        pltpu.VMEM((_PER_W,), jnp.int32),
        pltpu.VMEM((VOCAB * VOCAB,), jnp.float32),
        pltpu.VMEM((_PER_W * VOCAB,), jnp.float32),
        pltpu.SemaphoreType.DMA,
    ],
    compiler_params=pltpu.CompilerParams(
        use_tc_tiling_on_sc=False,
        needs_layout_passes=False,
        skip_device_barrier=True,
        disable_bounds_checks=True,
        disable_semaphore_checks=True,
    ),
)
def _lookup_kernel(ids_hbm, table_hbm, out_hbm, idx_v, tab_v, rows_v, sem):
    wid = lax.axis_index("s") * _NC + lax.axis_index("c")
    cp_idx = pltpu.async_copy(ids_hbm.at[wid], idx_v, sem)
    cp_tab = pltpu.async_copy(table_hbm, tab_v, sem)
    cp_idx.wait()
    cp_tab.wait()
    lane_off = lax.iota(jnp.int32, _LANES) * VOCAB

    lane_offs = [lane_off + r for r in range(8)]

    @plsc.parallel_loop(0, _GROUPS, 1, unroll=1)
    def _group(g):
        idx16 = idx_v[pl.ds(g * _LANES, _LANES)]
        src = idx16 * VOCAB
        srcs = [src + r for r in range(8)]
        gbase = g * (_LANES * VOCAB)
        for q in range(VOCAB // 8):
            tab_slice = tab_v.at[pl.ds(8 * q, 1000)]
            row_slice = rows_v.at[pl.ds(gbase + 8 * q, 488)]
            for r in range(8):
                vals = plsc.load_gather(tab_slice, [srcs[r]])
                plsc.store_scatter(row_slice, [lane_offs[r]], vals)
    pltpu.sync_copy(rows_v, out_hbm.at[wid])


def kernel(input_ids, embed, W, b):
    table = _table_call(embed, W.T, b.reshape(1, VOCAB))
    ids = input_ids.reshape(_NW, _PER_W)
    out = _lookup_kernel(ids, table.reshape(VOCAB * VOCAB))
    return out.reshape(BATCH, SEQ, VOCAB)

# --- scband reference (transcript-rebuilt; emitter-appended) ---
"""Pipeline reference for scband-mock-model-65687229825787 (READ-ONLY COPY).

The authoritative reference and input builder live on the scoring server;
editing this copy changes nothing except your own understanding.
"""

import jax, jax.numpy as jnp
import numpy as np

VOCAB = 32
EMBED_DIM = 8

def setup_inputs(seed: int = 0) -> dict:
    key = jax.random.key(seed)
    k1, k2, k3 = jax.random.split(key, 3)
    input_ids = jax.random.randint(k1, (4, 8192), 0, VOCAB, dtype=jnp.int32)
    # learned parameters sized per module definition
    embed = jax.random.normal(k2, (VOCAB, EMBED_DIM), dtype=jnp.float32)
    # torch nn.Linear(8, 32): weight [out, in] = [32, 8], bias [32]
    W = jax.random.normal(k3, (VOCAB, EMBED_DIM), dtype=jnp.float32) * (1.0 / np.sqrt(EMBED_DIM))
    b = jnp.zeros((VOCAB,), dtype=jnp.float32)
    return {"input_ids": input_ids, "embed": embed, "W": W, "b": b}

def reference(input_ids, embed, W, b):
    # x = self.embed(input_ids)
    x = jnp.take(embed, input_ids, axis=0)  # [B, S, 8]
    # logits = self.head(x)
    logits = x @ W.T + b  # [B, S, VOCAB]
    # labels=None path: loss is None, return logits (the only array output)
    return logits

if __name__ == "__main__":
    import jax
    _d = setup_inputs()
    print(jax.jit(kernel)(*tuple(_d.values())))

</pallas_src>

<mosaic_0001>
#map = affine_map<(d0, d1) -> (0, 0)>
#map1 = affine_map<(d0, d1) -> (0)>
module attributes {stable_mosaic.version = 14 : i64} {
  func.func @_lookup_kernel(%arg0: i32, %arg1: i32, %arg2: memref<32x1024xi32, #tpu.memory_space<hbm>>, %arg3: memref<1024xf32, #tpu.memory_space<hbm>>, %arg4: memref<32x32768xf32, #tpu.memory_space<hbm>>, %arg5: memref<1024xi32, #tpu.memory_space<vmem>>, %arg6: memref<1024xf32, #tpu.memory_space<vmem>>, %arg7: memref<32768xf32, #tpu.memory_space<vmem>>, %arg8: memref<!tpu.dma_semaphore, #tpu.memory_space<semaphore_mem>>) attributes {dimension_semantics = [#tpu.dimension_semantics<core_parallel>, #tpu.dimension_semantics<subcore_parallel>], iteration_bounds = array<i64: 2, 16>, scalar_prefetch = 0 : i64, scratch_operands = 4 : i64, tpu.core_type = #tpu.core_type<sc_vector_subcore>, window_params = [{transform_indices = #map}, {transform_indices = #map1}, {transform_indices = #map}]} {
    %mul3A = arith.constant 2 : i32
    %mul3A_0 = arith.muli %arg1, %mul3A : i32
    %add3A = arith.addi %mul3A_0, %arg0 : i32
    %dma_start3A = arith.constant 0 : i32
    %dma_start3A_1 = tpu.memref_slice %arg2[%add3A, %dma_start3A] : memref<32x1024xi32, #tpu.memory_space<hbm>> -> memref<1x1024xi32, #tpu.memory_space<hbm>>
    %dma_start3A_2 = tpu.memref_squeeze %dma_start3A_1 : memref<1x1024xi32, #tpu.memory_space<hbm>> -> memref<1024xi32, #tpu.memory_space<hbm>>
    %dma_start3A_3 = arith.constant 0 : i32
    %dma_start3A_4 = tpu.memref_slice %arg2[%add3A, %dma_start3A_3] : memref<32x1024xi32, #tpu.memory_space<hbm>> -> memref<1x1024xi32, #tpu.memory_space<hbm>>
    %dma_start3A_5 = tpu.memref_squeeze %dma_start3A_4 : memref<1x1024xi32, #tpu.memory_space<hbm>> -> memref<1024xi32, #tpu.memory_space<hbm>>
    tpu.enqueue_dma source(%dma_start3A_5 : memref<1024xi32, #tpu.memory_space<hbm>>) target(%arg5 : memref<1024xi32, #tpu.memory_space<vmem>>) target_semaphore(%arg8 : memref<!tpu.dma_semaphore, #tpu.memory_space<semaphore_mem>>)
    tpu.enqueue_dma source(%arg3 : memref<1024xf32, #tpu.memory_space<hbm>>) target(%arg6 : memref<1024xf32, #tpu.memory_space<vmem>>) target_semaphore(%arg8 : memref<!tpu.dma_semaphore, #tpu.memory_space<semaphore_mem>>)
    %dma_wait3A = arith.constant 0 : i32
    %dma_wait3A_6 = tpu.memref_slice %arg2[%add3A, %dma_wait3A] : memref<32x1024xi32, #tpu.memory_space<hbm>> -> memref<1x1024xi32, #tpu.memory_space<hbm>>
    %dma_wait3A_7 = tpu.memref_squeeze %dma_wait3A_6 : memref<1x1024xi32, #tpu.memory_space<hbm>> -> memref<1024xi32, #tpu.memory_space<hbm>>
    %dma_wait3A_8 = arith.constant 0 : i32
    %dma_wait3A_9 = tpu.memref_slice %arg2[%add3A, %dma_wait3A_8] : memref<32x1024xi32, #tpu.memory_space<hbm>> -> memref<1x1024xi32, #tpu.memory_space<hbm>>
    %dma_wait3A_10 = tpu.memref_squeeze %dma_wait3A_9 : memref<1x1024xi32, #tpu.memory_space<hbm>> -> memref<1024xi32, #tpu.memory_space<hbm>>
    tpu.wait_dma2 semaphore(%arg8 : memref<!tpu.dma_semaphore, #tpu.memory_space<semaphore_mem>>) src(%dma_wait3A_10 : memref<1024xi32, #tpu.memory_space<hbm>>) dst(%arg5 : memref<1024xi32, #tpu.memory_space<vmem>>)
    tpu.wait_dma2 semaphore(%arg8 : memref<!tpu.dma_semaphore, #tpu.memory_space<semaphore_mem>>) src(%arg3 : memref<1024xf32, #tpu.memory_space<hbm>>) dst(%arg6 : memref<1024xf32, #tpu.memory_space<vmem>>)
    %iota3A = tpu.iota {dimensions = array<i32: 0>} : vector<16xi32>
    %mul3A_11 = arith.constant 32 : i32
    %mul3A_12 = vector.broadcast %mul3A_11 : i32 to vector<16xi32>
    %mul3A_13 = arith.muli %iota3A, %mul3A_12 : vector<16xi32>
    %add3A_14 = arith.constant 0 : i32
    %add3A_15 = vector.broadcast %add3A_14 : i32 to vector<16xi32>
    %add3A_16 = arith.addi %mul3A_13, %add3A_15 : vector<16xi32>
    %add3A_17 = arith.constant 1 : i32
    %add3A_18 = vector.broadcast %add3A_17 : i32 to vector<16xi32>
    %add3A_19 = arith.addi %mul3A_13, %add3A_18 : vector<16xi32>
    %add3A_20 = arith.constant 2 : i32
    %add3A_21 = vector.broadcast %add3A_20 : i32 to vector<16xi32>
    %add3A_22 = arith.addi %mul3A_13, %add3A_21 : vector<16xi32>
    %add3A_23 = arith.constant 3 : i32
    %add3A_24 = vector.broadcast %add3A_23 : i32 to vector<16xi32>
    %add3A_25 = arith.addi %mul3A_13, %add3A_24 : vector<16xi32>
    %add3A_26 = arith.constant 4 : i32
    %add3A_27 = vector.broadcast %add3A_26 : i32 to vector<16xi32>
    %add3A_28 = arith.addi %mul3A_13, %add3A_27 : vector<16xi32>
    %add3A_29 = arith.constant 5 : i32
    %add3A_30 = vector.broadcast %add3A_29 : i32 to vector<16xi32>
    %add3A_31 = arith.addi %mul3A_13, %add3A_30 : vector<16xi32>
    %add3A_32 = arith.constant 6 : i32
    %add3A_33 = vector.broadcast %add3A_32 : i32 to vector<16xi32>
    %add3A_34 = arith.addi %mul3A_13, %add3A_33 : vector<16xi32>
    %add3A_35 = arith.constant 7 : i32
    %add3A_36 = vector.broadcast %add3A_35 : i32 to vector<16xi32>
    %add3A_37 = arith.addi %mul3A_13, %add3A_36 : vector<16xi32>
    %parallel_loop3A = arith.constant 0 : i32
    %parallel_loop3A_38 = arith.constant 64 : i32
    %parallel_loop3A_39 = arith.constant 1 : i32
    scf.for %parallel_loop3A_40 = %parallel_loop3A to %parallel_loop3A_38 step %parallel_loop3A_39  : i32 {
      %parallel_loop3A_41 = arith.constant 16 : i32
      %parallel_loop3A_42 = arith.muli %parallel_loop3A_40, %parallel_loop3A_41 : i32
      %parallel_loop3A_43 = arith.index_cast %parallel_loop3A_42 : i32 to index
      %parallel_loop3A_44 = tpu.vector_load %arg5[%parallel_loop3A_43] {strides = array<i32>} : memref<1024xi32, #tpu.memory_space<vmem>>, vector<16xi32>,
      %parallel_loop3A_45 = arith.constant 32 : i32
      %parallel_loop3A_46 = vector.broadcast %parallel_loop3A_45 : i32 to vector<16xi32>
      %parallel_loop3A_47 = arith.muli %parallel_loop3A_44, %parallel_loop3A_46 : vector<16xi32>
      %parallel_loop3A_48 = arith.constant 0 : i32
      %parallel_loop3A_49 = vector.broadcast %parallel_loop3A_48 : i32 to vector<16xi32>
      %parallel_loop3A_50 = arith.addi %parallel_loop3A_47, %parallel_loop3A_49 : vector<16xi32>
      %parallel_loop3A_51 = arith.constant 1 : i32
      %parallel_loop3A_52 = vector.broadcast %parallel_loop3A_51 : i32 to vector<16xi32>
      %parallel_loop3A_53 = arith.addi %parallel_loop3A_47, %parallel_loop3A_52 : vector<16xi32>
      %parallel_loop3A_54 = arith.constant 2 : i32
      %parallel_loop3A_55 = vector.broadcast %parallel_loop3A_54 : i32 to vector<16xi32>
      %parallel_loop3A_56 = arith.addi %parallel_loop3A_47, %parallel_loop3A_55 : vector<16xi32>
      %parallel_loop3A_57 = arith.constant 3 : i32
      %parallel_loop3A_58 = vector.broadcast %parallel_loop3A_57 : i32 to vector<16xi32>
      %parallel_loop3A_59 = arith.addi %parallel_loop3A_47, %parallel_loop3A_58 : vector<16xi32>
      %parallel_loop3A_60 = arith.constant 4 : i32
      %parallel_loop3A_61 = vector.broadcast %parallel_loop3A_60 : i32 to vector<16xi32>
      %parallel_loop3A_62 = arith.addi %parallel_loop3A_47, %parallel_loop3A_61 : vector<16xi32>
      %parallel_loop3A_63 = arith.constant 5 : i32
      %parallel_loop3A_64 = vector.broadcast %parallel_loop3A_63 : i32 to vector<16xi32>
      %parallel_loop3A_65 = arith.addi %parallel_loop3A_47, %parallel_loop3A_64 : vector<16xi32>
      %parallel_loop3A_66 = arith.constant 6 : i32
      %parallel_loop3A_67 = vector.broadcast %parallel_loop3A_66 : i32 to vector<16xi32>
      %parallel_loop3A_68 = arith.addi %parallel_loop3A_47, %parallel_loop3A_67 : vector<16xi32>
      %parallel_loop3A_69 = arith.constant 7 : i32
      %parallel_loop3A_70 = vector.broadcast %parallel_loop3A_69 : i32 to vector<16xi32>
      %parallel_loop3A_71 = arith.addi %parallel_loop3A_47, %parallel_loop3A_70 : vector<16xi32>
      %parallel_loop3A_72 = arith.constant 512 : i32
      %parallel_loop3A_73 = arith.muli %parallel_loop3A_40, %parallel_loop3A_72 : i32
      %parallel_loop3A_74 = arith.constant 0 : i32
      %parallel_loop3A_75 = arith.addi %parallel_loop3A_73, %parallel_loop3A_74 : i32
      %parallel_loop3A_76 = arith.constant 0 : i32
      %parallel_loop3A_77 = tpu.memref_slice %arg6[%parallel_loop3A_76] : memref<1024xf32, #tpu.memory_space<vmem>> -> memref<1000xf32, #tpu.memory_space<vmem>>
      %parallel_loop3A_78 = tpu.vector_load_idx %parallel_loop3A_77[%parallel_loop3A_50] : memref<1000xf32, #tpu.memory_space<vmem>>[vector<16xi32>], vector<16xf32>,
      %parallel_loop3A_79 = tpu.memref_slice %arg7[%parallel_loop3A_75] : memref<32768xf32, #tpu.memory_space<vmem>> -> memref<488xf32, #tpu.memory_space<vmem>>
      tpu.vector_store_idx %parallel_loop3A_79[%add3A_16], %parallel_loop3A_78 : memref<488xf32, #tpu.memory_space<vmem>>[vector<16xi32>], vector<16xf32>,
      %parallel_loop3A_80 = arith.constant 0 : i32
      %parallel_loop3A_81 = tpu.memref_slice %arg6[%parallel_loop3A_80] : memref<1024xf32, #tpu.memory_space<vmem>> -> memref<1000xf32, #tpu.memory_space<vmem>>
      %parallel_loop3A_82 = tpu.vector_load_idx %parallel_loop3A_81[%parallel_loop3A_53] : memref<1000xf32, #tpu.memory_space<vmem>>[vector<16xi32>], vector<16xf32>,
      %parallel_loop3A_83 = tpu.memref_slice %arg7[%parallel_loop3A_75] : memref<32768xf32, #tpu.memory_space<vmem>> -> memref<488xf32, #tpu.memory_space<vmem>>
      tpu.vector_store_idx %parallel_loop3A_83[%add3A_19], %parallel_loop3A_82 : memref<488xf32, #tpu.memory_space<vmem>>[vector<16xi32>], vector<16xf32>,
      %parallel_loop3A_84 = arith.constant 0 : i32
      %parallel_loop3A_85 = tpu.memref_slice %arg6[%parallel_loop3A_84] : memref<1024xf32, #tpu.memory_space<vmem>> -> memref<1000xf32, #tpu.memory_space<vmem>>
      %parallel_loop3A_86 = tpu.vector_load_idx %parallel_loop3A_85[%parallel_loop3A_56] : memref<1000xf32, #tpu.memory_space<vmem>>[vector<16xi32>], vector<16xf32>,
      %parallel_loop3A_87 = tpu.memref_slice %arg7[%parallel_loop3A_75] : memref<32768xf32, #tpu.memory_space<vmem>> -> memref<488xf32, #tpu.memory_space<vmem>>
      tpu.vector_store_idx %parallel_loop3A_87[%add3A_22], %parallel_loop3A_86 : memref<488xf32, #tpu.memory_space<vmem>>[vector<16xi32>], vector<16xf32>,
      %parallel_loop3A_88 = arith.constant 0 : i32
      %parallel_loop3A_89 = tpu.memref_slice %arg6[%parallel_loop3A_88] : memref<1024xf32, #tpu.memory_space<vmem>> -> memref<1000xf32, #tpu.memory_space<vmem>>
      %parallel_loop3A_90 = tpu.vector_load_idx %parallel_loop3A_89[%parallel_loop3A_59] : memref<1000xf32, #tpu.memory_space<vmem>>[vector<16xi32>], vector<16xf32>,
      %parallel_loop3A_91 = tpu.memref_slice %arg7[%parallel_loop3A_75] : memref<32768xf32, #tpu.memory_space<vmem>> -> memref<488xf32, #tpu.memory_space<vmem>>
      tpu.vector_store_idx %parallel_loop3A_91[%add3A_25], %parallel_loop3A_90 : memref<488xf32, #tpu.memory_space<vmem>>[vector<16xi32>], vector<16xf32>,
      %parallel_loop3A_92 = arith.constant 0 : i32
      %parallel_loop3A_93 = tpu.memref_slice %arg6[%parallel_loop3A_92] : memref<1024xf32, #tpu.memory_space<vmem>> -> memref<1000xf32, #tpu.memory_space<vmem>>
      %parallel_loop3A_94 = tpu.vector_load_idx %parallel_loop3A_93[%parallel_loop3A_62] : memref<1000xf32, #tpu.memory_space<vmem>>[vector<16xi32>], vector<16xf32>,
      %parallel_loop3A_95 = tpu.memref_slice %arg7[%parallel_loop3A_75] : memref<32768xf32, #tpu.memory_space<vmem>> -> memref<488xf32, #tpu.memory_space<vmem>>
      tpu.vector_store_idx %parallel_loop3A_95[%add3A_28], %parallel_loop3A_94 : memref<488xf32, #tpu.memory_space<vmem>>[vector<16xi32>], vector<16xf32>,
      %parallel_loop3A_96 = arith.constant 0 : i32
      %parallel_loop3A_97 = tpu.memref_slice %arg6[%parallel_loop3A_96] : memref<1024xf32, #tpu.memory_space<vmem>> -> memref<1000xf32, #tpu.memory_space<vmem>>
      %parallel_loop3A_98 = tpu.vector_load_idx %parallel_loop3A_97[%parallel_loop3A_65] : memref<1000xf32, #tpu.memory_space<vmem>>[vector<16xi32>], vector<16xf32>,
      %parallel_loop3A_99 = tpu.memref_slice %arg7[%parallel_loop3A_75] : memref<32768xf32, #tpu.memory_space<vmem>> -> memref<488xf32, #tpu.memory_space<vmem>>
      tpu.vector_store_idx %parallel_loop3A_99[%add3A_31], %parallel_loop3A_98 : memref<488xf32, #tpu.memory_space<vmem>>[vector<16xi32>], vector<16xf32>,
      %parallel_loop3A_100 = arith.constant 0 : i32
      %parallel_loop3A_101 = tpu.memref_slice %arg6[%parallel_loop3A_100] : memref<1024xf32, #tpu.memory_space<vmem>> -> memref<1000xf32, #tpu.memory_space<vmem>>
      %parallel_loop3A_102 = tpu.vector_load_idx %parallel_loop3A_101[%parallel_loop3A_68] : memref<1000xf32, #tpu.memory_space<vmem>>[vector<16xi32>], vector<16xf32>,
      %parallel_loop3A_103 = tpu.memref_slice %arg7[%parallel_loop3A_75] : memref<32768xf32, #tpu.memory_space<vmem>> -> memref<488xf32, #tpu.memory_space<vmem>>
      tpu.vector_store_idx %parallel_loop3A_103[%add3A_34], %parallel_loop3A_102 : memref<488xf32, #tpu.memory_space<vmem>>[vector<16xi32>], vector<16xf32>,
      %parallel_loop3A_104 = arith.constant 0 : i32
      %parallel_loop3A_105 = tpu.memref_slice %arg6[%parallel_loop3A_104] : memref<1024xf32, #tpu.memory_space<vmem>> -> memref<1000xf32, #tpu.memory_space<vmem>>
      %parallel_loop3A_106 = tpu.vector_load_idx %parallel_loop3A_105[%parallel_loop3A_71] : memref<1000xf32, #tpu.memory_space<vmem>>[vector<16xi32>], vector<16xf32>,
      %parallel_loop3A_107 = tpu.memref_slice %arg7[%parallel_loop3A_75] : memref<32768xf32, #tpu.memory_space<vmem>> -> memref<488xf32, #tpu.memory_space<vmem>>
      tpu.vector_store_idx %parallel_loop3A_107[%add3A_37], %parallel_loop3A_106 : memref<488xf32, #tpu.memory_space<vmem>>[vector<16xi32>], vector<16xf32>,
      %parallel_loop3A_108 = arith.constant 8 : i32
      %parallel_loop3A_109 = arith.addi %parallel_loop3A_73, %parallel_loop3A_108 : i32
      %parallel_loop3A_110 = arith.constant 8 : i32
      %parallel_loop3A_111 = tpu.memref_slice %arg6[%parallel_loop3A_110] : memref<1024xf32, #tpu.memory_space<vmem>> -> memref<1000xf32, #tpu.memory_space<vmem>>
      %parallel_loop3A_112 = tpu.vector_load_idx %parallel_loop3A_111[%parallel_loop3A_50] : memref<1000xf32, #tpu.memory_space<vmem>>[vector<16xi32>], vector<16xf32>,
      %parallel_loop3A_113 = tpu.memref_slice %arg7[%parallel_loop3A_109] : memref<32768xf32, #tpu.memory_space<vmem>> -> memref<488xf32, #tpu.memory_space<vmem>>
      tpu.vector_store_idx %parallel_loop3A_113[%add3A_16], %parallel_loop3A_112 : memref<488xf32, #tpu.memory_space<vmem>>[vector<16xi32>], vector<16xf32>,
      %parallel_loop3A_114 = arith.constant 8 : i32
      %parallel_loop3A_115 = tpu.memref_slice %arg6[%parallel_loop3A_114] : memref<1024xf32, #tpu.memory_space<vmem>> -> memref<1000xf32, #tpu.memory_space<vmem>>
      %parallel_loop3A_116 = tpu.vector_load_idx %parallel_loop3A_115[%parallel_loop3A_53] : memref<1000xf32, #tpu.memory_space<vmem>>[vector<16xi32>], vector<16xf32>,
      %parallel_loop3A_117 = tpu.memref_slice %arg7[%parallel_loop3A_109] : memref<32768xf32, #tpu.memory_space<vmem>> -> memref<488xf32, #tpu.memory_space<vmem>>
      tpu.vector_store_idx %parallel_loop3A_117[%add3A_19], %parallel_loop3A_116 : memref<488xf32, #tpu.memory_space<vmem>>[vector<16xi32>], vector<16xf32>,
      %parallel_loop3A_118 = arith.constant 8 : i32
      %parallel_loop3A_119 = tpu.memref_slice %arg6[%parallel_loop3A_118] : memref<1024xf32, #tpu.memory_space<vmem>> -> memref<1000xf32, #tpu.memory_space<vmem>>
      %parallel_loop3A_120 = tpu.vector_load_idx %parallel_loop3A_119[%parallel_loop3A_56] : memref<1000xf32, #tpu.memory_space<vmem>>[vector<16xi32>], vector<16xf32>,
      %parallel_loop3A_121 = tpu.memref_slice %arg7[%parallel_loop3A_109] : memref<32768xf32, #tpu.memory_space<vmem>> -> memref<488xf32, #tpu.memory_space<vmem>>
      tpu.vector_store_idx %parallel_loop3A_121[%add3A_22], %parallel_loop3A_120 : memref<488xf32, #tpu.memory_space<vmem>>[vector<16xi32>], vector<16xf32>,
      %parallel_loop3A_122 = arith.constant 8 : i32
      %parallel_loop3A_123 = tpu.memref_slice %arg6[%parallel_loop3A_122] : memref<1024xf32, #tpu.memory_space<vmem>> -> memref<1000xf32, #tpu.memory_space<vmem>>
      %parallel_loop3A_124 = tpu.vector_load_idx %parallel_loop3A_123[%parallel_loop3A_59] : memref<1000xf32, #tpu.memory_space<vmem>>[vector<16xi32>], vector<16xf32>,
      %parallel_loop3A_125 = tpu.memref_slice %arg7[%parallel_loop3A_109] : memref<32768xf32, #tpu.memory_space<vmem>> -> memref<488xf32, #tpu.memory_space<vmem>>
      tpu.vector_store_idx %parallel_loop3A_125[%add3A_25], %parallel_loop3A_124 : memref<488xf32, #tpu.memory_space<vmem>>[vector<16xi32>], vector<16xf32>,
      %parallel_loop3A_126 = arith.constant 8 : i32
      %parallel_loop3A_127 = tpu.memref_slice %arg6[%parallel_loop3A_126] : memref<1024xf32, #tpu.memory_space<vmem>> -> memref<1000xf32, #tpu.memory_space<vmem>>
      %parallel_loop3A_128 = tpu.vector_load_idx %parallel_loop3A_127[%parallel_loop3A_62] : memref<1000xf32, #tpu.memory_space<vmem>>[vector<16xi32>], vector<16xf32>,
      %parallel_loop3A_129 = tpu.memref_slice %arg7[%parallel_loop3A_109] : memref<32768xf32, #tpu.memory_space<vmem>> -> memref<488xf32, #tpu.memory_space<vmem>>
      tpu.vector_store_idx %parallel_loop3A_129[%add3A_28], %parallel_loop3A_128 : memref<488xf32, #tpu.memory_space<vmem>>[vector<16xi32>], vector<16xf32>,
      %parallel_loop3A_130 = arith.constant 8 : i32
      %parallel_loop3A_131 = tpu.memref_slice %arg6[%parallel_loop3A_130] : memref<1024xf32, #tpu.memory_space<vmem>> -> memref<1000xf32, #tpu.memory_space<vmem>>
      %parallel_loop3A_132 = tpu.vector_load_idx %parallel_loop3A_131[%parallel_loop3A_65] : memref<1000xf32, #tpu.memory_space<vmem>>[vector<16xi32>], vector<16xf32>,
      %parallel_loop3A_133 = tpu.memref_slice %arg7[%parallel_loop3A_109] : memref<32768xf32, #tpu.memory_space<vmem>> -> memref<488xf32, #tpu.memory_space<vmem>>
      tpu.vector_store_idx %parallel_loop3A_133[%add3A_31], %parallel_loop3A_132 : memref<488xf32, #tpu.memory_space<vmem>>[vector<16xi32>], vector<16xf32>,
      %parallel_loop3A_134 = arith.constant 8 : i32
      %parallel_loop3A_135 = tpu.memref_slice %arg6[%parallel_loop3A_134] : memref<1024xf32, #tpu.memory_space<vmem>> -> memref<1000xf32, #tpu.memory_space<vmem>>
      %parallel_loop3A_136 = tpu.vector_load_idx %parallel_loop3A_135[%parallel_loop3A_68] : memref<1000xf32, #tpu.memory_space<vmem>>[vector<16xi32>], vector<16xf32>,
      %parallel_loop3A_137 = tpu.memref_slice %arg7[%parallel_loop3A_109] : memref<32768xf32, #tpu.memory_space<vmem>> -> memref<488xf32, #tpu.memory_space<vmem>>
      tpu.vector_store_idx %parallel_loop3A_137[%add3A_34], %parallel_loop3A_136 : memref<488xf32, #tpu.memory_space<vmem>>[vector<16xi32>], vector<16xf32>,
      %parallel_loop3A_138 = arith.constant 8 : i32
      %parallel_loop3A_139 = tpu.memref_slice %arg6[%parallel_loop3A_138] : memref<1024xf32, #tpu.memory_space<vmem>> -> memref<1000xf32, #tpu.memory_space<vmem>>
      %parallel_loop3A_140 = tpu.vector_load_idx %parallel_loop3A_139[%parallel_loop3A_71] : memref<1000xf32, #tpu.memory_space<vmem>>[vector<16xi32>], vector<16xf32>,
      %parallel_loop3A_141 = tpu.memref_slice %arg7[%parallel_loop3A_109] : memref<32768xf32, #tpu.memory_space<vmem>> -> memref<488xf32, #tpu.memory_space<vmem>>
      tpu.vector_store_idx %parallel_loop3A_141[%add3A_37], %parallel_loop3A_140 : memref<488xf32, #tpu.memory_space<vmem>>[vector<16xi32>], vector<16xf32>,
      %parallel_loop3A_142 = arith.constant 16 : i32
      %parallel_loop3A_143 = arith.addi %parallel_loop3A_73, %parallel_loop3A_142 : i32
      %parallel_loop3A_144 = arith.constant 16 : i32
      %parallel_loop3A_145 = tpu.memref_slice %arg6[%parallel_loop3A_144] : memref<1024xf32, #tpu.memory_space<vmem>> -> memref<1000xf32, #tpu.memory_space<vmem>>
      %parallel_loop3A_146 = tpu.vector_load_idx %parallel_loop3A_145[%parallel_loop3A_50] : memref<1000xf32, #tpu.memory_space<vmem>>[vector<16xi32>], vector<16xf32>,
      %parallel_loop3A_147 = tpu.memref_slice %arg7[%parallel_loop3A_143] : memref<32768xf32, #tpu.memory_space<vmem>> -> memref<488xf32, #tpu.memory_space<vmem>>
      tpu.vector_store_idx %parallel_loop3A_147[%add3A_16], %parallel_loop3A_146 : memref<488xf32, #tpu.memory_space<vmem>>[vector<16xi32>], vector<16xf32>,
      %parallel_loop3A_148 = arith.constant 16 : i32
      %parallel_loop3A_149 = tpu.memref_slice %arg6[%parallel_loop3A_148] : memref<1024xf32, #tpu.memory_space<vmem>> -> memref<1000xf32, #tpu.memory_space<vmem>>
      %parallel_loop3A_150 = tpu.vector_load_idx %parallel_loop3A_149[%parallel_loop3A_53] : memref<1000xf32, #tpu.memory_space<vmem>>[vector<16xi32>], vector<16xf32>,
      %parallel_loop3A_151 = tpu.memref_slice %arg7[%parallel_loop3A_143] : memref<32768xf32, #tpu.memory_space<vmem>> -> memref<488xf32, #tpu.memory_space<vmem>>
      tpu.vector_store_idx %parallel_loop3A_151[%add3A_19], %parallel_loop3A_150 : memref<488xf32, #tpu.memory_space<vmem>>[vector<16xi32>], vector<16xf32>,
      %parallel_loop3A_152 = arith.constant 16 : i32
      %parallel_loop3A_153 = tpu.memref_slice %arg6[%parallel_loop3A_152] : memref<1024xf32, #tpu.memory_space<vmem>> -> memref<1000xf32, #tpu.memory_space<vmem>>
      %parallel_loop3A_154 = tpu.vector_load_idx %parallel_loop3A_153[%parallel_loop3A_56] : memref<1000xf32, #tpu.memory_space<vmem>>[vector<16xi32>], vector<16xf32>,
      %parallel_loop3A_155 = tpu.memref_slice %arg7[%parallel_loop3A_143] : memref<32768xf32, #tpu.memory_space<vmem>> -> memref<488xf32, #tpu.memory_space<vmem>>
      tpu.vector_store_idx %parallel_loop3A_155[%add3A_22], %parallel_loop3A_154 : memref<488xf32, #tpu.memory_space<vmem>>[vector<16xi32>], vector<16xf32>,
      %parallel_loop3A_156 = arith.constant 16 : i32
      %parallel_loop3A_157 = tpu.memref_slice %arg6[%parallel_loop3A_156] : memref<1024xf32, #tpu.memory_space<vmem>> -> memref<1000xf32, #tpu.memory_space<vmem>>
      %parallel_loop3A_158 = tpu.vector_load_idx %parallel_loop3A_157[%parallel_loop3A_59] : memref<1000xf32, #tpu.memory_space<vmem>>[vector<16xi32>], vector<16xf32>,
      %parallel_loop3A_159 = tpu.memref_slice %arg7[%parallel_loop3A_143] : memref<32768xf32, #tpu.memory_space<vmem>> -> memref<488xf32, #tpu.memory_space<vmem>>
      tpu.vector_store_idx %parallel_loop3A_159[%add3A_25], %parallel_loop3A_158 : memref<488xf32, #tpu.memory_space<vmem>>[vector<16xi32>], vector<16xf32>,
      %parallel_loop3A_160 = arith.constant 16 : i32
      %parallel_loop3A_161 = tpu.memref_slice %arg6[%parallel_loop3A_160] : memref<1024xf32, #tpu.memory_space<vmem>> -> memref<1000xf32, #tpu.memory_space<vmem>>
      %parallel_loop3A_162 = tpu.vector_load_idx %parallel_loop3A_161[%parallel_loop3A_62] : memref<1000xf32, #tpu.memory_space<vmem>>[vector<16xi32>], vector<16xf32>,
      %parallel_loop3A_163 = tpu.memref_slice %arg7[%parallel_loop3A_143] : memref<32768xf32, #tpu.memory_space<vmem>> -> memref<488xf32, #tpu.memory_space<vmem>>
      tpu.vector_store_idx %parallel_loop3A_163[%add3A_28], %parallel_loop3A_162 : memref<488xf32, #tpu.memory_space<vmem>>[vector<16xi32>], vector<16xf32>,
      %parallel_loop3A_164 = arith.constant 16 : i32
      %parallel_loop3A_165 = tpu.memref_slice %arg6[%parallel_loop3A_164] : memref<1024xf32, #tpu.memory_space<vmem>> -> memref<1000xf32, #tpu.memory_space<vmem>>
      %parallel_loop3A_166 = tpu.vector_load_idx %parallel_loop3A_165[%parallel_loop3A_65] : memref<1000xf32, #tpu.memory_space<vmem>>[vector<16xi32>], vector<16xf32>,
      %parallel_loop3A_167 = tpu.memref_slice %arg7[%parallel_loop3A_143] : memref<32768xf32, #tpu.memory_space<vmem>> -> memref<488xf32, #tpu.memory_space<vmem>>
      tpu.vector_store_idx %parallel_loop3A_167[%add3A_31], %parallel_loop3A_166 : memref<488xf32, #tpu.memory_space<vmem>>[vector<16xi32>], vector<16xf32>,
      %parallel_loop3A_168 = arith.constant 16 : i32
      %parallel_loop3A_169 = tpu.memref_slice %arg6[%parallel_loop3A_168] : memref<1024xf32, #tpu.memory_space<vmem>> -> memref<1000xf32, #tpu.memory_space<vmem>>
      %parallel_loop3A_170 = tpu.vector_load_idx %parallel_loop3A_169[%parallel_loop3A_68] : memref<1000xf32, #tpu.memory_space<vmem>>[vector<16xi32>], vector<16xf32>,
      %parallel_loop3A_171 = tpu.memref_slice %arg7[%parallel_loop3A_143] : memref<32768xf32, #tpu.memory_space<vmem>> -> memref<488xf32, #tpu.memory_space<vmem>>
      tpu.vector_store_idx %parallel_loop3A_171[%add3A_34], %parallel_loop3A_170 : memref<488xf32, #tpu.memory_space<vmem>>[vector<16xi32>], vector<16xf32>,
      %parallel_loop3A_172 = arith.constant 16 : i32
      %parallel_loop3A_173 = tpu.memref_slice %arg6[%parallel_loop3A_172] : memref<1024xf32, #tpu.memory_space<vmem>> -> memref<1000xf32, #tpu.memory_space<vmem>>
      %parallel_loop3A_174 = tpu.vector_load_idx %parallel_loop3A_173[%parallel_loop3A_71] : memref<1000xf32, #tpu.memory_space<vmem>>[vector<16xi32>], vector<16xf32>,
      %parallel_loop3A_175 = tpu.memref_slice %arg7[%parallel_loop3A_143] : memref<32768xf32, #tpu.memory_space<vmem>> -> memref<488xf32, #tpu.memory_space<vmem>>
      tpu.vector_store_idx %parallel_loop3A_175[%add3A_37], %parallel_loop3A_174 : memref<488xf32, #tpu.memory_space<vmem>>[vector<16xi32>], vector<16xf32>,
      %parallel_loop3A_176 = arith.constant 24 : i32
      %parallel_loop3A_177 = arith.addi %parallel_loop3A_73, %parallel_loop3A_176 : i32
      %parallel_loop3A_178 = arith.constant 24 : i32
      %parallel_loop3A_179 = tpu.memref_slice %arg6[%parallel_loop3A_178] : memref<1024xf32, #tpu.memory_space<vmem>> -> memref<1000xf32, #tpu.memory_space<vmem>>
      %parallel_loop3A_180 = tpu.vector_load_idx %parallel_loop3A_179[%parallel_loop3A_50] : memref<1000xf32, #tpu.memory_space<vmem>>[vector<16xi32>], vector<16xf32>,
      %parallel_loop3A_181 = tpu.memref_slice %arg7[%parallel_loop3A_177] : memref<32768xf32, #tpu.memory_space<vmem>> -> memref<488xf32, #tpu.memory_space<vmem>>
      tpu.vector_store_idx %parallel_loop3A_181[%add3A_16], %parallel_loop3A_180 : memref<488xf32, #tpu.memory_space<vmem>>[vector<16xi32>], vector<16xf32>,
      %parallel_loop3A_182 = arith.constant 24 : i32
      %parallel_loop3A_183 = tpu.memref_slice %arg6[%parallel_loop3A_182] : memref<1024xf32, #tpu.memory_space<vmem>> -> memref<1000xf32, #tpu.memory_space<vmem>>
      %parallel_loop3A_184 = tpu.vector_load_idx %parallel_loop3A_183[%parallel_loop3A_53] : memref<1000xf32, #tpu.memory_space<vmem>>[vector<16xi32>], vector<16xf32>,
      %parallel_loop3A_185 = tpu.memref_slice %arg7[%parallel_loop3A_177] : memref<32768xf32, #tpu.memory_space<vmem>> -> memref<488xf32, #tpu.memory_space<vmem>>
      tpu.vector_store_idx %parallel_loop3A_185[%add3A_19], %parallel_loop3A_184 : memref<488xf32, #tpu.memory_space<vmem>>[vector<16xi32>], vector<16xf32>,
      %parallel_loop3A_186 = arith.constant 24 : i32
      %parallel_loop3A_187 = tpu.memref_slice %arg6[%parallel_loop3A_186] : memref<1024xf32, #tpu.memory_space<vmem>> -> memref<1000xf32, #tpu.memory_space<vmem>>
      %parallel_loop3A_188 = tpu.vector_load_idx %parallel_loop3A_187[%parallel_loop3A_56] : memref<1000xf32, #tpu.memory_space<vmem>>[vector<16xi32>], vector<16xf32>,
      %parallel_loop3A_189 = tpu.memref_slice %arg7[%parallel_loop3A_177] : memref<32768xf32, #tpu.memory_space<vmem>> -> memref<488xf32, #tpu.memory_space<vmem>>
      tpu.vector_store_idx %parallel_loop3A_189[%add3A_22], %parallel_loop3A_188 : memref<488xf32, #tpu.memory_space<vmem>>[vector<16xi32>], vector<16xf32>,
      %parallel_loop3A_190 = arith.constant 24 : i32
      %parallel_loop3A_191 = tpu.memref_slice %arg6[%parallel_loop3A_190] : memref<1024xf32, #tpu.memory_space<vmem>> -> memref<1000xf32, #tpu.memory_space<vmem>>
      %parallel_loop3A_192 = tpu.vector_load_idx %parallel_loop3A_191[%parallel_loop3A_59] : memref<1000xf32, #tpu.memory_space<vmem>>[vector<16xi32>], vector<16xf32>,
      %parallel_loop3A_193 = tpu.memref_slice %arg7[%parallel_loop3A_177] : memref<32768xf32, #tpu.memory_space<vmem>> -> memref<488xf32, #tpu.memory_space<vmem>>
      tpu.vector_store_idx %parallel_loop3A_193[%add3A_25], %parallel_loop3A_192 : memref<488xf32, #tpu.memory_space<vmem>>[vector<16xi32>], vector<16xf32>,
      %parallel_loop3A_194 = arith.constant 24 : i32
      %parallel_loop3A_195 = tpu.memref_slice %arg6[%parallel_loop3A_194] : memref<1024xf32, #tpu.memory_space<vmem>> -> memref<1000xf32, #tpu.memory_space<vmem>>
      %parallel_loop3A_196 = tpu.vector_load_idx %parallel_loop3A_195[%parallel_loop3A_62] : memref<1000xf32, #tpu.memory_space<vmem>>[vector<16xi32>], vector<16xf32>,
      %parallel_loop3A_197 = tpu.memref_slice %arg7[%parallel_loop3A_177] : memref<32768xf32, #tpu.memory_space<vmem>> -> memref<488xf32, #tpu.memory_space<vmem>>
      tpu.vector_store_idx %parallel_loop3A_197[%add3A_28], %parallel_loop3A_196 : memref<488xf32, #tpu.memory_space<vmem>>[vector<16xi32>], vector<16xf32>,
      %parallel_loop3A_198 = arith.constant 24 : i32
      %parallel_loop3A_199 = tpu.memref_slice %arg6[%parallel_loop3A_198] : memref<1024xf32, #tpu.memory_space<vmem>> -> memref<1000xf32, #tpu.memory_space<vmem>>
      %parallel_loop3A_200 = tpu.vector_load_idx %parallel_loop3A_199[%parallel_loop3A_65] : memref<1000xf32, #tpu.memory_space<vmem>>[vector<16xi32>], vector<16xf32>,
      %parallel_loop3A_201 = tpu.memref_slice %arg7[%parallel_loop3A_177] : memref<32768xf32, #tpu.memory_space<vmem>> -> memref<488xf32, #tpu.memory_space<vmem>>
      tpu.vector_store_idx %parallel_loop3A_201[%add3A_31], %parallel_loop3A_200 : memref<488xf32, #tpu.memory_space<vmem>>[vector<16xi32>], vector<16xf32>,
      %parallel_loop3A_202 = arith.constant 24 : i32
      %parallel_loop3A_203 = tpu.memref_slice %arg6[%parallel_loop3A_202] : memref<1024xf32, #tpu.memory_space<vmem>> -> memref<1000xf32, #tpu.memory_space<vmem>>
      %parallel_loop3A_204 = tpu.vector_load_idx %parallel_loop3A_203[%parallel_loop3A_68] : memref<1000xf32, #tpu.memory_space<vmem>>[vector<16xi32>], vector<16xf32>,
      %parallel_loop3A_205 = tpu.memref_slice %arg7[%parallel_loop3A_177] : memref<32768xf32, #tpu.memory_space<vmem>> -> memref<488xf32, #tpu.memory_space<vmem>>
      tpu.vector_store_idx %parallel_loop3A_205[%add3A_34], %parallel_loop3A_204 : memref<488xf32, #tpu.memory_space<vmem>>[vector<16xi32>], vector<16xf32>,
      %parallel_loop3A_206 = arith.constant 24 : i32
      %parallel_loop3A_207 = tpu.memref_slice %arg6[%parallel_loop3A_206] : memref<1024xf32, #tpu.memory_space<vmem>> -> memref<1000xf32, #tpu.memory_space<vmem>>
      %parallel_loop3A_208 = tpu.vector_load_idx %parallel_loop3A_207[%parallel_loop3A_71] : memref<1000xf32, #tpu.memory_space<vmem>>[vector<16xi32>], vector<16xf32>,
      %parallel_loop3A_209 = tpu.memref_slice %arg7[%parallel_loop3A_177] : memref<32768xf32, #tpu.memory_space<vmem>> -> memref<488xf32, #tpu.memory_space<vmem>>
      tpu.vector_store_idx %parallel_loop3A_209[%add3A_37], %parallel_loop3A_208 : memref<488xf32, #tpu.memory_space<vmem>>[vector<16xi32>], vector<16xf32>,
    } {sc.loop_unroll_factor = 1 : i64, sc.parallel_access}
    "tpu.region"() ({
      %run_scoped3A = tpu.sem_alloc : memref<!tpu.dma_semaphore, #tpu.memory_space<semaphore_mem>>
      %dma_start3A_40 = arith.constant 0 : i32
      %dma_start3A_41 = tpu.memref_slice %arg4[%add3A, %dma_start3A_40] : memref<32x32768xf32, #tpu.memory_space<hbm>> -> memref<1x32768xf32, #tpu.memory_space<hbm>>
      %dma_start3A_42 = tpu.memref_squeeze %dma_start3A_41 : memref<1x32768xf32, #tpu.memory_space<hbm>> -> memref<32768xf32, #tpu.memory_space<hbm>>
      %dma_start3A_43 = arith.constant 0 : i32
      %dma_start3A_44 = tpu.memref_slice %arg4[%add3A, %dma_start3A_43] : memref<32x32768xf32, #tpu.memory_space<hbm>> -> memref<1x32768xf32, #tpu.memory_space<hbm>>
      %dma_start3A_45 = tpu.memref_squeeze %dma_start3A_44 : memref<1x32768xf32, #tpu.memory_space<hbm>> -> memref<32768xf32, #tpu.memory_space<hbm>>
      tpu.enqueue_dma source(%arg7 : memref<32768xf32, #tpu.memory_space<vmem>>) target(%dma_start3A_45 : memref<32768xf32, #tpu.memory_space<hbm>>) target_semaphore(%run_scoped3A : memref<!tpu.dma_semaphore, #tpu.memory_space<semaphore_mem>>)
      %dma_wait3A_46 = arith.constant 0 : i32
      %dma_wait3A_47 = tpu.memref_slice %arg4[%add3A, %dma_wait3A_46] : memref<32x32768xf32, #tpu.memory_space<hbm>> -> memref<1x32768xf32, #tpu.memory_space<hbm>>
      %dma_wait3A_48 = tpu.memref_squeeze %dma_wait3A_47 : memref<1x32768xf32, #tpu.memory_space<hbm>> -> memref<32768xf32, #tpu.memory_space<hbm>>
      %dma_wait3A_49 = arith.constant 0 : i32
      %dma_wait3A_50 = tpu.memref_slice %arg4[%add3A, %dma_wait3A_49] : memref<32x32768xf32, #tpu.memory_space<hbm>> -> memref<1x32768xf32, #tpu.memory_space<hbm>>
      %dma_wait3A_51 = tpu.memref_squeeze %dma_wait3A_50 : memref<1x32768xf32, #tpu.memory_space<hbm>> -> memref<32768xf32, #tpu.memory_space<hbm>>
      tpu.wait_dma2 semaphore(%run_scoped3A : memref<!tpu.dma_semaphore, #tpu.memory_space<semaphore_mem>>) src(%arg7 : memref<32768xf32, #tpu.memory_space<vmem>>) dst(%dma_wait3A_51 : memref<32768xf32, #tpu.memory_space<hbm>>)
      tpu.yield
    }) : () -> ()
    return
  }
}

module attributes {stable_mosaic.version = 14 : i64} {
  func.func @_table_body(%arg0: memref<32x8xf32, #tpu.memory_space<vmem>>, %arg1: memref<8x32xf32, #tpu.memory_space<vmem>>, %arg2: memref<1x32xf32, #tpu.memory_space<vmem>>, %arg3: memref<32x32xf32, #tpu.memory_space<vmem>>) attributes {dimension_semantics = [], scalar_prefetch = 0 : i64, scratch_operands = 0 : i64, tpu.core_type = #tpu.core_type<tc>} {
    %get3A = arith.constant 0 : index
    %get3A_0 = arith.constant 0 : index
    %get3A_1 = vector.load %arg0[%get3A, %get3A_0] : memref<32x8xf32, #tpu.memory_space<vmem>>, vector<32x8xf32>
    %get3A_2 = arith.constant 0 : index
    %get3A_3 = arith.constant 0 : index
    %get3A_4 = vector.load %arg1[%get3A_2, %get3A_3] : memref<8x32xf32, #tpu.memory_space<vmem>>, vector<8x32xf32>
    %dot_general3A = arith.constant dense<0.000000e+00> : vector<32x32xf32>
    %dot_general3A_5 = tpu.matmul %get3A_1, %get3A_4, %dot_general3A {dimension_numbers = #tpu.dot_dimension_numbers<[1], [0], [0], [1], [0, 0, 1, 1], [], []>, transpose_lhs_hint = false} : vector<32x8xf32>, vector<8x32xf32>, vector<32x32xf32> -> vector<32x32xf32>
    %get3A_6 = arith.constant 0 : index
    %get3A_7 = arith.constant 0 : index
    %get3A_8 = vector.load %arg2[%get3A_6, %get3A_7] : memref<1x32xf32, #tpu.memory_space<vmem>>, vector<1x32xf32>
    %add3A = vector.broadcast %get3A_8 : vector<1x32xf32> to vector<32x32xf32>
    %add3A_9 = arith.addf %dot_general3A_5, %add3A : vector<32x32xf32>
    %swap3A = arith.constant 0 : index
    %swap3A_10 = arith.constant 0 : index
    %swap3A_11 = vector.load %arg3[%swap3A, %swap3A_10] : memref<32x32xf32, #tpu.memory_space<vmem>>, vector<32x32xf32>
    tpu.vector_store %arg3[%swap3A, %swap3A_10], %add3A_9 {strides = array<i32>} : memref<32x32xf32, #tpu.memory_space<vmem>>, vector<32x32xf32>,
    return
  }
}

</mosaic_0001>

<sc_bundles>
// kernel: kernel.4.cloned.1.call-start
scs
__scs_entry_jumppad:
0x0: {  	(pc) =	sbr.rel $0x88, $3  }
0x1: {  	(tag) =	ssettag $0x0;
	lr =	simm.s32 $0x1  }
0x2: {  	[smem:$0x3F9D] =	sst lr;
	_ =	strace $0xD0000000  }
0x3: {  	_ = 	snop  }
0x4: {  	_ = 	snop  }
0x5: {  	_ = 	snop  }
0x6: {  	_ = 	snop  }
0x7: {  	_ = 	snop  }
__scs_overlays_trampoline_lowered:
0x8: {  	[smem:$0x3FAC] =	sst s0  }
0x9: {  	[smem:$0x3FAD] =	sst s1  }
0xa: {  	[smem:$0x3FAE] =	sst s2  }
0xb: {  	[smem:$0x3FAF] =	sst s3  }
0xc: {  	[smem:$0x3FB0] =	sst s4  }
0xd: {  	[smem:$0x3FB1] =	sst s5  }
0xe: {  	[smem:$0x3FB2] =	sst s6  }
0xf: {  	[smem:$0x3FB3] =	sst s7  }
0x10: {  	[smem:$0x3FB4] =	sst s8  }
0x11: {  	[smem:$0x3FB5] =	sst s9;
	s0 =	simm.s32 @!p0 $0x0  }
0x12: {  	s1 =	sld [smem:$0x3F9B];
	s0 =	simm.s32 @p0 $0x1  }
0x13: {  	[smem:$0x3FB6] =	sst s0;
	s0 =	simm.s32 @!p1 $0x0  }
0x14: {  	s2 =	sld [smem:$0x3F9A];
	s0 =	simm.s32 @p1 $0x1  }
0x15: {  	[smem:$0x3FB7] =	sst s0;
	s0 =	simm.s32 @!p2 $0x0  }
0x16: {  	s3 =	sld [smem:$0x3FDB];
	s0 =	simm.s32 @p2 $0x1  }
0x17: {  	s4 =	simm.s32 $0x1BF5;
	[smem:$0x3FB9] =	sst s0  }
0x18: {  	s0 =	sld [smem:$0x3F9C];
	_ =	swait.ge [sflag:s4], $0x0  }
0x19: {  	s7 =	sld [smem:$0x3F9D]  }
0x1a: {  	s8 =	sadd.s32 $0xFFFFE003, lr  }
0x1b: {  	s9 =	sadd.s32 $0xFFFFFEF7, lr;
	s5 =	simm.s32 $0xFFFFFFFF;
	p2 =	slt.u32 s8, $0xFFFFF086  }
0x1c: {  	p1 =	slt.u32 s9, $0xF7A;
	s5 =	simm.s32 @!p2 $0x0  }
0x1d: {  	s5 =	simm.s32 @p1 $0x1;
	p0 =	seq.s32 s7, s2  }
0x1e: {  	s7 =	smul.u32 @!p0 $0xF7A, s2;
	p2 =	seq.s32 @!p0 s5, $0x0  }
0x1f: {  	s9 =	smul.u32 $0xF7A, s1;
	s8 =	simm.s32 @!p0 $0x1BF5;
	p2 =	por !p2, p0  }
0x20: {  	[sflag:s8] =	ssyncset.s32 @!p0 $0xFFFFF086;
	s6 =	sadd.s32 @!p0 s3, s7;
	s7 =	simm.s32 @!p0 $0x108  }
0x21: {  	s3 =	sadd.s32 s3, s9;
	s6 =	sadd.s32 @!p0 $0x88, s6;
	s7 =	simm.s32 @p2 $0x1082  }
0x22: {  	[simem:s7], [sflag:s8] =	dma.local @!p0 [hbm:s6], $0xF7A  }
0x23: {  	s9 =	sor.u32 $0xD0000000, s2;
	s6 =	simm.s32 $0x108;
	_ =	swait.ge @!p0 [sflag:s8], $0x0  }
0x24: {  	s3 =	sadd.s32 $0x88, s3;
	s6 =	simm.s32 @!p1 $0x1082;
	[sflag:s4] =	ssyncset.s32 $0xFFFFF086  }
0x25: {  	[simem:s6], [sflag:s4] =	dma.local [hbm:s3], $0xF7A  }
0x26: {  	[smem:$0x3F9D] =	sst s1;
	(tag) =	ssettag s2;
	_ =	strace s9  }
0x27: {  	s1 =	sld [smem:$0x3FAD]  }
0x28: {  	s2 =	sld [smem:$0x3FAE]  }
0x29: {  	s4 =	sld [smem:$0x3FB0]  }
0x2a: {  	p0 =	seq.s32 s5, $0x0;
	s5 =	sld [smem:$0x3FB1]  }
0x2b: {  	s6 =	sld [smem:$0x3FB2]  }
0x2c: {  	s7 =	sld [smem:$0x3FB3]  }
0x2d: {  	s3 =	simm.s32 $0x108;
	s8 =	sld [smem:$0x3FB4]  }
0x2e: {  	s3 =	simm.s32 @!p0 $0x1082;
	s9 =	sld [smem:$0x3FB5]  }
0x2f: {  	lr =	sadd.s32 s0, s3;
	s0 =	sld [smem:$0x3FAC]  }
0x30: {  	s3 =	sld [smem:$0x3FAF]  }
0x31: {  	[smem:$0x3FB8] =	sst s10  }
0x32: {  	s10 =	sld [smem:$0x3FB6];
	_ =	sdelay $0x3  }
0x33: {  	p0 =	seq.s32 s10, $0x1;
	s10 =	sld [smem:$0x3FB8];
	_ =	sdelay $0x3  }
0x34: {  	[smem:$0x3FB8] =	sst s10  }
0x35: {  	s10 =	sld [smem:$0x3FB7];
	_ =	sdelay $0x3  }
0x36: {  	p1 =	seq.s32 s10, $0x1;
	s10 =	sld [smem:$0x3FB8];
	_ =	sdelay $0x3  }
0x37: {  	[smem:$0x3FB8] =	sst s10  }
0x38: {  	s10 =	sld [smem:$0x3FB9]  }
0x39: {  	_ = 	snop;
	(pc) =	sbr.ind lr, $3  }
0x3a: {  	_ = 	snop  }
0x3b: {  	_ = 	snop  }
0x3c: {  	p2 =	seq.s32 s10, $0x1;
	s10 =	sld [smem:$0x3FB8]  }
0x3d: {  	_ =	shalt  }
0x3e: {  	_ =	shalt  }
0x3f: {  	_ =	shalt  }
0x40: {  	_ =	shalt  }
0x41: {  	_ =	shalt  }
0x42: {  	_ =	shalt  }
0x43: {  	_ =	shalt  }
0x44: {  	_ =	shalt  }
0x45: {  	_ =	shalt  }
0x46: {  	_ =	shalt  }
0x47: {  	_ =	shalt  }
0x48: {  	_ =	shalt  }
0x49: {  	_ =	shalt  }
0x4a: {  	_ =	shalt  }
0x4b: {  	_ =	shalt  }
0x4c: {  	_ =	shalt  }
0x4d: {  	_ =	shalt  }
0x4e: {  	_ =	shalt  }
0x4f: {  	_ =	shalt  }
0x50: {  	_ =	shalt  }
0x51: {  	_ =	shalt  }
0x52: {  	_ =	shalt  }
0x53: {  	_ =	shalt  }
0x54: {  	_ =	shalt  }
0x55: {  	_ =	shalt  }
0x56: {  	_ =	shalt  }
0x57: {  	_ =	shalt  }
0x58: {  	_ =	shalt  }
0x59: {  	_ =	shalt  }
0x5a: {  	_ =	shalt  }
0x5b: {  	_ =	shalt  }
0x5c: {  	_ =	shalt  }
0x5d: {  	_ =	shalt  }
0x5e: {  	_ =	shalt  }
0x5f: {  	_ =	shalt  }
0x60: {  	_ =	shalt  }
0x61: {  	_ =	shalt  }
0x62: {  	_ =	shalt  }
0x63: {  	_ =	shalt  }
0x64: {  	_ =	shalt  }
0x65: {  	_ =	shalt  }
0x66: {  	_ =	shalt  }
0x67: {  	_ =	shalt  }
0x68: {  	_ =	shalt  }
0x69: {  	_ =	shalt  }
0x6a: {  	_ =	shalt  }
0x6b: {  	_ =	shalt  }
0x6c: {  	_ =	shalt  }
0x6d: {  	_ =	shalt  }
0x6e: {  	_ =	shalt  }
0x6f: {  	_ =	shalt  }
0x70: {  	_ =	shalt  }
0x71: {  	_ =	shalt  }
0x72: {  	_ =	shalt  }
0x73: {  	_ =	shalt  }
0x74: {  	_ =	shalt  }
0x75: {  	_ =	shalt  }
0x76: {  	_ =	shalt  }
0x77: {  	_ =	shalt  }
0x78: {  	_ =	shalt  }
0x79: {  	_ =	shalt  }
0x7a: {  	_ =	shalt  }
0x7b: {  	_ =	shalt  }
0x7c: {  	_ =	shalt  }
0x7d: {  	_ =	shalt  }
0x7e: {  	_ =	shalt  }
0x7f: {  	_ =	shalt  }
0x80: {  	_ =	shalt  }
0x81: {  	_ =	shalt  }
0x82: {  	_ =	shalt  }
0x83: {  	_ =	shalt  }
0x84: {  	_ =	shalt  }
0x85: {  	_ =	shalt  }
0x86: {  	_ =	shalt  }
0x87: {  	_ =	shalt  }
.Lfunc_end0:
.L_simem_size_0:
called_computation_lowered:
.L_overlay_start_0:
0x88: {  	s2 =	sld [smem:$0x3FD9]  }
0x89: {  	s3 =	sld [smem:$0x3FFE];
	_ =	sdelay $0x1  }
0x8a: {  	s1 =	srdreg.scid  }
0x8b: {  	s0 =	sand.u32 $0x1, s1  }
0x8c: {  	s17 =	sshll.u32 s0, $0xA;
	s2 =	sadd.s32 s3, s2  }
0x8d: {  	s2 =	sadd.s32 s2, s17  }
0x8e: {  	[smem:$0x3FC4] =	sst s2  }
0x8f: {  	_ = 	snop  }
0x90: {  	s2 =	sld [smem:$0x3FD0];
	(tm) =	ssettm $0x1  }
0x91: {  	s18 =	sld [smem:$0x3FFB];
	_ =	sdelay $0x3  }
0x92: {  	_ =	strace s18  }
0x93: {  	s3 =	sld [smem:$0x3FFC];
	_ =	sdelay $0x3  }
0x94: {  	_ =	strace s3  }
0x95: {  	s3 =	sld [smem:$0x3FFD];
	_ =	sdelay $0x3  }
0x96: {  	_ =	strace s3  }
0x97: {  	_ =	strace $0x8FFFFFFF  }
0x98: {  	s19 =	sld [smem:$0x3FDB];
	_ =	sdelay $0x1  }
0x99: {  	s4 =	simm.s32 $_scs_section_size  }
0x9a: {  	s5 =	simm.s32 $_size__tile_overlayer_lowered;
	s6 =	simm.s32 $_tile_overlayer_lowered  }
0x9b: {  	s22 =	simm.s32 $0x1BFF;
	s21 =	sshll.u32 s6, $0x1;
	s3 =	sadd.s32 s4, s19  }
0x9c: {  	s7 =	simm.s32 $0x0;
	s20 =	sshll.u32 s5, $0x1;
	s5 =	sadd.s32 s21, s3  }
0x9d: {  	[timem:s7], [sflag:s22] =	dma.local [hbm:s5], s20  }
0x9e: {  	_ =	swait.ge [sflag:s22], s20  }
0x9f: {  	s4 =	ssub.s32 $0x0, s20;
	[sflag:s22] =	ssyncset.done $0x0  }
0xa0: {  	[sflag:s22] =	ssyncadd.s32 s4;
	_ =	sdelay $0x1  }
0xa1: {  	s23 =	simm.s32 $0x1B8B  }
0xa2: {  	_ =	swait.ge [sflag:s23], $0x1  }
0xa3: {  	[sflag:s23] =	ssyncset.done $0x0  }
0xa4: {  	s25 =	simm.s32 $0x1B8E;
	s24 =	sld [smem:$0x3FFE];
	[sflag:s23] =	ssyncadd.s32 $0xFFFFFFFF  }
0xa5: {  	s26 =	simm.s32 $execute0_lowered;
	[smem:$0x3FD2] =	sst s25  }
0xa6: {  	s5 =	sshll.u32 s26, $0x1;
	_ =	strace $0x80000046;
	[dreg:$0x1] =	wrdreg $0xFFFFFFFF  }
0xa7: {  	s28 =	simm.s32 $_size_execute0_lowered;
	s3 =	sadd.s32 s3, s5;
	[dreg:$0x0] =	wrdreg $0x0  }
0xa8: {  	s5 =	sshll.u32 s28, $0x1;
	[dreg:$0x2] =	wrdreg s3  }
0xa9: {  	[dreg:$0x3] =	wrdreg s5  }
0xaa: {  	[dreg:$0x4] =	wrdreg $0xC0  }
0xab: {  	_ =	task [dreg:s7], $0x5FFFF  }
0xac: {  	[dreg:$0x1] =	wrdreg $0xFFFFFFFF  }
0xad: {  	[dreg:$0x0] =	wrdreg $0x60  }
0xae: {  	[dreg:$0x2] =	wrdreg s24  }
0xaf: {  	[dreg:$0x3] =	wrdreg s2  }
0xb0: {  	[dreg:$0x4] =	wrdreg $0x9  }
0xb1: {  	_ =	task.clear_ibuf [dreg:s7], $0x5FFFF;
	_ =	strace $0x90000046  }
0xb2: {  	s29 =	simm.s32 $0x9;
	_ =	strace $0x80000048  }
0xb3: {  	_ =	swait.ge [sflag:s29], $0x1  }
0xb4: {  	[sflag:s29] =	ssyncadd.s32 $0xFFFFFFFF  }
0xb5: {  	_ =	strace $0x90000048  }
0xb6: {  	_ =	sfence  }
0xb7: {  	s30 =	sld [smem:$0x0];
	_ =	sdelay $0x2  }
0xb8: {  	s31 =	sshll.u32 s1, $0xD;
	s1 =	sshrl.u32 s1, $0x2  }
0xb9: {  	s3 =	sand.u32 $0x4000, s31;
	s1 =	sadd.s32 s1, s30  }
0xba: {  	s0 =	sor.u32 s3, s0;
	s1 =	sshll.u32 s1, $0x11  }
0xbb: {  	s0 =	sor.u32 s1, s0  }
0xbc: {  	s0 =	sadd.s32 $0x8F2B, s0  }
0xbd: {  	[sflag:s0] =	ssyncadd.remote.s32 $0x1  }
0xbe: {  	_ =	sfence.sel $0xFFFF  }
0xbf: {  	[dreg:$0x0] =	wrdreg $0xFFFFFFFF;
	(pc) =	sbr.abs _section_cstart, $3  }
0xc0: {  	[dreg:$0x1] =	wrdreg $0xFFFFFFFF  }
0xc1: {  	_ =	task.clear_ibuf [dreg:s7], $0x2FFFF;
	_ =	strace $0x9FFFFFFF  }
0xc2: {  	(tm) =	ssettm $0x7FFFFFFF  }
0xc3: {  	_ =	shalt  }
tec
execute0_lowered:
.L_overlay_start_1:
0x0: {  	(tag) =	ssettag $0x1  }
0x1: {  	s3 =	rddreg [dreg:$0x0];
	s1 =	srdreg.scid  }
0x2: {  	s0 =	stileid.u32;
	s5 =	rddreg [dreg:$0x1];
	s2 =	simm.s32 $0x0  }
0x3: {  	v0 =	vlaneseq.u32;
	s9 =	simm.s32 $0x408;
	s10 =	simm.s32 $0x410;
	s11 =	simm.s32 $0x418  }
0x4: {  	s12 =	simm.s32 $0x800;
	s13 =	simm.s32 $0x2;
	s14 =	simm.s32 $0x0;
	v0 =	vmul.u32 $0x20, v0  }
0x5: {  	s4 =	sand.u32 $0x1, s1;
	s6 =	sshll.u32 s0, $0x1;
	s1 =	rddreg [dreg:$0x2]  }
0x6: {  	[smem:$0x7FF] =	sst s2;
	s6 =	sor.u32 s4, s6;
	s4 =	ssub.s32 $0x2, s4;
	v2 =	vor.u32 $0x2, v0  }
0x7: {  	_ =	strace $0x80000047;
	s7 =	sshll.u32 s6, $0x7;
	s8 =	sshrl.u32 s4, $0x1;
	v4 =	vor.u32 $0x4, v0  }
0x8: {  	s6 =	sshll.u32 s6, $0xC;
	v7 =	vor.u32 $0x7, v0;
	s7 =	sadd.s32 s7, s3;
	s3 =	sadd.s32 $0x800, s3  }
0x9: {  	v1 =	vor.u32 $0x1, v0;
	s8 =	ssub.s32 s4, s8;
	s5 =	sadd.s32 s5, s6;
	s4 =	sadd.s32 $0xA00, s7  }
0xa: {  	v3 =	vor.u32 $0x3, v0;
	v5 =	vor.u32 $0x5, v0;
	v6 =	vor.u32 $0x6, v0;
	s6 =	smax.u32 s8, $0x1;
	s7 =	simm.s32 $0x400;
	s8 =	simm.s32 $0x1  }
.LBB2_1:
0xb: {  	[tilespmem:s2], [sflag:$0x1] =	stream.linear.gather [hbm4b:s4+s2], $0x400, $0x38;
	[tilespmem:$0x8800] =	vst v63  }
0xc: {  	_ = 	snop  }
0xd: {  	[tilespmem:s7], [sflag:$0x1] =	stream.linear.gather [hbm4b:s3+s2], $0x400, $0x38;
	[tilespmem:$0x8800] =	vst v63  }
0xe: {  	_ =	swait.ge [sflag:s8], $0x400  }
0xf: {  	[sflag:s8] =	ssyncset.done $0x0  }
0x10: {  	[sflag:s8] =	ssyncadd.s32 $0xFFFFFC00  }
0x11: {  	_ =	swait.ge [sflag:s8], $0x400  }
0x12: {  	[sflag:s8] =	ssyncset.done $0x0  }
0x13: {  	s15 =	simm.s32 $0x0;
	[sflag:s8] =	ssyncadd.s32 $0xFFFFFC00  }
0x14: {  	v8 =	vld [tilespmem:s15+$0x0];
	_ =	sdelay $0x4  }
0x15: {  	v35 =	vshll.u32 v8, $0x5;
	_ =	sdelay $0x4  }
0x16: {  	v8 =	vld.idx.msk [tilespmem:v35+s7+$0x0], $0xffff  }
0x17: {  	v36 =	vor.u32 $0x1, v35;
	_ =	sdelay $0x3  }
0x18: {  	[tilespmem:v0+s12+$0x0] =	vst.idx.msk $0xffff, v8  }
0x19: {  	v8 =	vld.idx.msk [tilespmem:v36+s7+$0x0], $0xffff  }
0x1a: {  	v40 =	vor.u32 $0x2, v35;
	_ =	sdelay $0x2  }
0x1b: {  	s29 =	simm.s32 $0x10  }
0x1c: {  	v9 =	vld [tilespmem:s29+$0x0];
	[tilespmem:v1+s12+$0x0] =	vst.idx.msk $0xffff, v8  }
0x1d: {  	v8 =	vld.idx.msk [tilespmem:v40+s7+$0x0], $0xffff  }
0x1e: {  	v42 =	vor.u32 $0x3, v35;
	_ =	sdelay $0x3  }
0x1f: {  	v43 =	vshll.u32 v9, $0x5;
	[tilespmem:v2+s12+$0x0] =	vst.idx.msk $0xffff, v8  }
0x20: {  	v8 =	vld.idx.msk [tilespmem:v42+s7+$0x0], $0xffff  }
0x21: {  	v46 =	vor.u32 $0x4, v35;
	_ =	sdelay $0x2  }
0x22: {  	v9 =	vld.idx.msk [tilespmem:v43+s7+$0x0], $0xffff  }
0x23: {  	v44 =	vor.u32 $0x1, v43;
	[tilespmem:v3+s12+$0x0] =	vst.idx.msk $0xffff, v8  }
0x24: {  	v8 =	vld.idx.msk [tilespmem:v46+s7+$0x0], $0xffff  }
0x25: {  	v47 =	vor.u32 $0x5, v35  }
0x26: {  	s16 =	simm.s32 $0xA00  }
0x27: {  	[tilespmem:v0+s16+$0x0] =	vst.idx.msk $0xffff, v9  }
0x28: {  	v9 =	vld.idx.msk [tilespmem:v44+s7+$0x0], $0xffff  }
0x29: {  	v50 =	vor.u32 $0x2, v43;
	[tilespmem:v4+s12+$0x0] =	vst.idx.msk $0xffff, v8  }
0x2a: {  	v8 =	vld.idx.msk [tilespmem:v47+s7+$0x0], $0xffff  }
0x2b: {  	v48 =	vor.u32 $0x6, v35;
	_ =	sdelay $0x1  }
0x2c: {  	[tilespmem:v1+s16+$0x0] =	vst.idx.msk $0xffff, v9  }
0x2d: {  	v9 =	vld.idx.msk [tilespmem:v50+s7+$0x0], $0xffff  }
0x2e: {  	v28 =	vor.u32 $0x3, v43;
	[tilespmem:v5+s12+$0x0] =	vst.idx.msk $0xffff, v8  }
0x2f: {  	v8 =	vld.idx.msk [tilespmem:v48+s7+$0x0], $0xffff  }
0x30: {  	v49 =	vor.u32 $0x7, v35;
	_ =	sdelay $0x1  }
0x31: {  	[tilespmem:v2+s16+$0x0] =	vst.idx.msk $0xffff, v9  }
0x32: {  	v9 =	vld.idx.msk [tilespmem:v28+s7+$0x0], $0xffff  }
0x33: {  	v27 =	vor.u32 $0x4, v43;
	[tilespmem:v6+s12+$0x0] =	vst.idx.msk $0xffff, v8  }
0x34: {  	s30 =	simm.s32 $0x20;
	v8 =	vld.idx.msk [tilespmem:v49+s7+$0x0], $0xffff  }
0x35: {  	v10 =	vld [tilespmem:s30+$0x0];
	_ =	sdelay $0x1  }
0x36: {  	[tilespmem:v3+s16+$0x0] =	vst.idx.msk $0xffff, v9  }
0x37: {  	v9 =	vld.idx.msk [tilespmem:v27+s7+$0x0], $0xffff  }
0x38: {  	v17 =	vor.u32 $0x5, v43;
	[tilespmem:v7+s12+$0x0] =	vst.idx.msk $0xffff, v8  }
0x39: {  	v25 =	vshll.u32 v10, $0x5;
	v8 =	vld.idx.msk [tilespmem:v35+s9+$0x0], $0xffff;
	_ =	sdelay $0x2  }
0x3a: {  	[tilespmem:v4+s16+$0x0] =	vst.idx.msk $0xffff, v9  }
0x3b: {  	v9 =	vld.idx.msk [tilespmem:v17+s7+$0x0], $0xffff  }
0x3c: {  	v15 =	vor.u32 $0x6, v43;
	v10 =	vld.idx.msk [tilespmem:v25+s7+$0x0], $0xffff;
	[tilespmem:v0+s12+$0x8] =	vst.idx.msk $0xffff, v8  }
0x3d: {  	v16 =	vor.u32 $0x1, v25;
	v8 =	vld.idx.msk [tilespmem:v36+s9+$0x0], $0xffff;
	_ =	sdelay $0x2  }
0x3e: {  	s15 =	simm.s32 $0xC00;
	[tilespmem:v5+s16+$0x0] =	vst.idx.msk $0xffff, v9  }
0x3f: {  	[tilespmem:v0+s15+$0x0] =	vst.idx.msk $0xffff, v10;
	v9 =	vld.idx.msk [tilespmem:v15+s7+$0x0], $0xffff  }
0x40: {  	v13 =	vor.u32 $0x7, v43;
	v10 =	vld.idx.msk [tilespmem:v16+s7+$0x0], $0xffff;
	[tilespmem:v1+s12+$0x8] =	vst.idx.msk $0xffff, v8  }
0x41: {  	v14 =	vor.u32 $0x2, v25;
	v8 =	vld.idx.msk [tilespmem:v40+s9+$0x0], $0xffff;
	_ =	sdelay $0x2  }
0x42: {  	[tilespmem:v6+s16+$0x0] =	vst.idx.msk $0xffff, v9  }
0x43: {  	[tilespmem:v1+s15+$0x0] =	vst.idx.msk $0xffff, v10;
	v9 =	vld.idx.msk [tilespmem:v13+s7+$0x0], $0xffff  }
0x44: {  	v10 =	vld.idx.msk [tilespmem:v14+s7+$0x0], $0xffff;
	[tilespmem:v2+s12+$0x8] =	vst.idx.msk $0xffff, v8  }
0x45: {  	v12 =	vor.u32 $0x3, v25;
	v8 =	vld.idx.msk [tilespmem:v42+s9+$0x0], $0xffff;
	_ =	sdelay $0x1  }
0x46: {  	s17 =	simm.s32 $0x30  }
0x47: {  	v18 =	vld [tilespmem:s17+$0x0];
	[tilespmem:v7+s16+$0x0] =	vst.idx.msk $0xffff, v9  }
0x48: {  	[tilespmem:v2+s15+$0x0] =	vst.idx.msk $0xffff, v10;
	v9 =	vld.idx.msk [tilespmem:v43+s9+$0x0], $0xffff  }
0x49: {  	v10 =	vld.idx.msk [tilespmem:v12+s7+$0x0], $0xffff;
	[tilespmem:v3+s12+$0x8] =	vst.idx.msk $0xffff, v8  }
0x4a: {  	v11 =	vor.u32 $0x4, v25;
	v8 =	vld.idx.msk [tilespmem:v46+s9+$0x0], $0xffff;
	_ =	sdelay $0x2  }
0x4b: {  	[tilespmem:v0+s16+$0x8] =	vst.idx.msk $0xffff, v9  }
0x4c: {  	v26 =	vshll.u32 v18, $0x5;
	[tilespmem:v3+s15+$0x0] =	vst.idx.msk $0xffff, v10;
	v9 =	vld.idx.msk [tilespmem:v44+s9+$0x0], $0xffff  }
0x4d: {  	v18 =	vld.idx.msk [tilespmem:v11+s7+$0x0], $0xffff;
	[tilespmem:v4+s12+$0x8] =	vst.idx.msk $0xffff, v8  }
0x4e: {  	v10 =	vor.u32 $0x5, v25;
	v8 =	vld.idx.msk [tilespmem:v47+s9+$0x0], $0xffff;
	_ =	sdelay $0x2  }
0x4f: {  	v19 =	vld.idx.msk [tilespmem:v26+s7+$0x0], $0xffff;
	[tilespmem:v1+s16+$0x8] =	vst.idx.msk $0xffff, v9  }
0x50: {  	v24 =	vor.u32 $0x1, v26;
	[tilespmem:v4+s15+$0x0] =	vst.idx.msk $0xffff, v18;
	v20 =	vld.idx.msk [tilespmem:v50+s9+$0x0], $0xffff  }
0x51: {  	v18 =	vld.idx.msk [tilespmem:v10+s7+$0x0], $0xffff;
	[tilespmem:v5+s12+$0x8] =	vst.idx.msk $0xffff, v8  }
0x52: {  	v9 =	vor.u32 $0x6, v25;
	v8 =	vld.idx.msk [tilespmem:v48+s9+$0x0], $0xffff  }
0x53: {  	s17 =	simm.s32 $0xE00  }
0x54: {  	[tilespmem:v0+s17+$0x0] =	vst.idx.msk $0xffff, v19  }
0x55: {  	v21 =	vld.idx.msk [tilespmem:v24+s7+$0x0], $0xffff;
	[tilespmem:v2+s16+$0x8] =	vst.idx.msk $0xffff, v20  }
0x56: {  	v23 =	vor.u32 $0x2, v26;
	[tilespmem:v5+s15+$0x0] =	vst.idx.msk $0xffff, v18;
	v20 =	vld.idx.msk [tilespmem:v28+s9+$0x0], $0xffff  }
0x57: {  	v18 =	vld.idx.msk [tilespmem:v9+s7+$0x0], $0xffff;
	[tilespmem:v6+s12+$0x8] =	vst.idx.msk $0xffff, v8  }
0x58: {  	v8 =	vor.u32 $0x7, v25;
	v19 =	vld.idx.msk [tilespmem:v49+s9+$0x0], $0xffff;
	_ =	sdelay $0x1  }
0x59: {  	[tilespmem:v1+s17+$0x0] =	vst.idx.msk $0xffff, v21  }
0x5a: {  	v21 =	vld.idx.msk [tilespmem:v23+s7+$0x0], $0xffff;
	[tilespmem:v3+s16+$0x8] =	vst.idx.msk $0xffff, v20  }
0x5b: {  	v22 =	vor.u32 $0x3, v26;
	[tilespmem:v6+s15+$0x0] =	vst.idx.msk $0xffff, v18;
	v20 =	vld.idx.msk [tilespmem:v27+s9+$0x0], $0xffff  }
0x5c: {  	v18 =	vld.idx.msk [tilespmem:v8+s7+$0x0], $0xffff;
	[tilespmem:v7+s12+$0x8] =	vst.idx.msk $0xffff, v19  }
0x5d: {  	v19 =	vld.idx.msk [tilespmem:v35+s10+$0x0], $0xffff;
	_ =	sdelay $0x1  }
0x5e: {  	[tilespmem:v2+s17+$0x0] =	vst.idx.msk $0xffff, v21  }
0x5f: {  	v30 =	vld.idx.msk [tilespmem:v22+s7+$0x0], $0xffff;
	[tilespmem:v4+s16+$0x8] =	vst.idx.msk $0xffff, v20  }
0x60: {  	v20 =	vld.idx.msk [tilespmem:v17+s9+$0x0], $0xffff;
	[tilespmem:v7+s15+$0x0] =	vst.idx.msk $0xffff, v18  }
0x61: {  	v21 =	vor.u32 $0x4, v26;
	v18 =	vld.idx.msk [tilespmem:v25+s9+$0x0], $0xffff;
	[tilespmem:v0+s12+$0x10] =	vst.idx.msk $0xffff, v19  }
0x62: {  	v19 =	vld.idx.msk [tilespmem:v36+s10+$0x0], $0xffff;
	_ =	sdelay $0x1  }
0x63: {  	s18 =	simm.s32 $0x40;
	[tilespmem:v3+s17+$0x0] =	vst.idx.msk $0xffff, v30  }
0x64: {  	v29 =	vld [tilespmem:s18+$0x0];
	[tilespmem:v5+s16+$0x8] =	vst.idx.msk $0xffff, v20  }
0x65: {  	v31 =	vld.idx.msk [tilespmem:v21+s7+$0x0], $0xffff;
	[tilespmem:v0+s15+$0x8] =	vst.idx.msk $0xffff, v18  }
0x66: {  	v18 =	vld.idx.msk [tilespmem:v16+s9+$0x0], $0xffff;
	[tilespmem:v1+s12+$0x10] =	vst.idx.msk $0xffff, v19;
	v19 =	vor.u32 $0x5, v26  }
0x67: {  	v20 =	vld.idx.msk [tilespmem:v15+s9+$0x0], $0xffff;
	_ =	sdelay $0x1  }
0x68: {  	v29 =	vshll.u32 v29, $0x5;
	v30 =	vld.idx.msk [tilespmem:v40+s10+$0x0], $0xffff  }
0x69: {  	[tilespmem:v4+s17+$0x0] =	vst.idx.msk $0xffff, v31  }
0x6a: {  	[tilespmem:v1+s15+$0x8] =	vst.idx.msk $0xffff, v18;
	v33 =	vld.idx.msk [tilespmem:v19+s7+$0x0], $0xffff  }
0x6b: {  	[tilespmem:v6+s16+$0x8] =	vst.idx.msk $0xffff, v20;
	v18 =	vor.u32 $0x6, v26;
	v34 =	vld.idx.msk [tilespmem:v14+s9+$0x0], $0xffff  }
0x6c: {  	v37 =	vld.idx.msk [tilespmem:v13+s9+$0x0], $0xffff  }
0x6d: {  	v32 =	vld.idx.msk [tilespmem:v29+s7+$0x0], $0xffff;
	[tilespmem:v2+s12+$0x10] =	vst.idx.msk $0xffff, v30  }
0x6e: {  	v30 =	vor.u32 $0x1, v29;
	v31 =	vld.idx.msk [tilespmem:v42+s10+$0x0], $0xffff  }
0x6f: {  	[tilespmem:v5+s17+$0x0] =	vst.idx.msk $0xffff, v33  }
0x70: {  	[tilespmem:v2+s15+$0x8] =	vst.idx.msk $0xffff, v34;
	v33 =	vld.idx.msk [tilespmem:v18+s7+$0x0], $0xffff  }
0x71: {  	s18 =	simm.s32 $0x1000;
	v20 =	vor.u32 $0x7, v26;
	[tilespmem:v7+s16+$0x8] =	vst.idx.msk $0xffff, v37;
	v34 =	vld.idx.msk [tilespmem:v12+s9+$0x0], $0xffff  }
0x72: {  	[tilespmem:v0+s18+$0x0] =	vst.idx.msk $0xffff, v32;
	v37 =	vld.idx.msk [tilespmem:v43+s10+$0x0], $0xffff  }
0x73: {  	v38 =	vld.idx.msk [tilespmem:v30+s7+$0x0], $0xffff;
	[tilespmem:v3+s12+$0x10] =	vst.idx.msk $0xffff, v31  }
0x74: {  	v32 =	vor.u32 $0x2, v29;
	v31 =	vld.idx.msk [tilespmem:v46+s10+$0x0], $0xffff  }
0x75: {  	[tilespmem:v6+s17+$0x0] =	vst.idx.msk $0xffff, v33  }
0x76: {  	[tilespmem:v3+s15+$0x8] =	vst.idx.msk $0xffff, v34;
	v39 =	vld.idx.msk [tilespmem:v20+s7+$0x0], $0xffff  }
0x77: {  	[tilespmem:v0+s16+$0x10] =	vst.idx.msk $0xffff, v37;
	v34 =	vld.idx.msk [tilespmem:v11+s9+$0x0], $0xffff  }
0x78: {  	v37 =	vld.idx.msk [tilespmem:v44+s10+$0x0], $0xffff;
	[tilespmem:v1+s18+$0x0] =	vst.idx.msk $0xffff, v38  }
0x79: {  	v38 =	vld.idx.msk [tilespmem:v32+s7+$0x0], $0xffff;
	[tilespmem:v4+s12+$0x10] =	vst.idx.msk $0xffff, v31  }
0x7a: {  	s19 =	simm.s32 $0x50;
	v31 =	vor.u32 $0x3, v29;
	v62 =	vld.idx.msk [tilespmem:v47+s10+$0x0], $0xffff  }
0x7b: {  	v41 =	vld [tilespmem:s19+$0x0];
	[tilespmem:v7+s17+$0x0] =	vst.idx.msk $0xffff, v39  }
0x7c: {  	[tilespmem:v4+s15+$0x8] =	vst.idx.msk $0xffff, v34;
	v45 =	vld.idx.msk [tilespmem:v26+s9+$0x0], $0xffff  }
0x7d: {  	[tilespmem:v1+s16+$0x10] =	vst.idx.msk $0xffff, v37;
	v51 =	vld.idx.msk [tilespmem:v10+s9+$0x0], $0xffff  }
0x7e: {  	v56 =	vld.idx.msk [tilespmem:v50+s10+$0x0], $0xffff;
	[tilespmem:v2+s18+$0x0] =	vst.idx.msk $0xffff, v38  }
0x7f: {  	v38 =	vld.idx.msk [tilespmem:v31+s7+$0x0], $0xffff;
	[tilespmem:v5+s12+$0x10] =	vst.idx.msk $0xffff, v62  }
0x80: {  	s31 =	simm.s32 $0x60;
	v33 =	vor.u32 $0x4, v29;
	v63 =	vld.idx.msk [tilespmem:v48+s10+$0x0], $0xffff  }
0x81: {  	v52 =	vld [tilespmem:s31+$0x0];
	[tilespmem:v0+s17+$0x8] =	vst.idx.msk $0xffff, v45  }
0x82: {  	v37 =	vshll.u32 v41, $0x5;
	[tilespmem:v5+s15+$0x8] =	vst.idx.msk $0xffff, v51;
	v45 =	vld.idx.msk [tilespmem:v24+s9+$0x0], $0xffff  }
0x83: {  	[tilespmem:v2+s16+$0x10] =	vst.idx.msk $0xffff, v56;
	v51 =	vld.idx.msk [tilespmem:v9+s9+$0x0], $0xffff  }
0x84: {  	v58 =	vld.idx.msk [tilespmem:v28+s10+$0x0], $0xffff;
	[tilespmem:v3+s18+$0x0] =	vst.idx.msk $0xffff, v38  }
0x85: {  	v57 =	vld.idx.msk [tilespmem:v33+s7+$0x0], $0xffff;
	[tilespmem:v6+s12+$0x10] =	vst.idx.msk $0xffff, v63  }
0x86: {  	v34 =	vor.u32 $0x5, v29;
	v39 =	vld.idx.msk [tilespmem:v49+s10+$0x0], $0xffff  }
0x87: {  	v53 =	vld.idx.msk [tilespmem:v37+s7+$0x0], $0xffff;
	[tilespmem:v1+s17+$0x8] =	vst.idx.msk $0xffff, v45  }
0x88: {  	v38 =	vor.u32 $0x1, v37;
	[tilespmem:v6+s15+$0x8] =	vst.idx.msk $0xffff, v51;
	v55 =	vld.idx.msk [tilespmem:v23+s9+$0x0], $0xffff  }
0x89: {  	[tilespmem:v3+s16+$0x10] =	vst.idx.msk $0xffff, v58;
	v51 =	vld.idx.msk [tilespmem:v8+s9+$0x0], $0xffff  }
0x8a: {  	v41 =	vld.idx.msk [tilespmem:v27+s10+$0x0], $0xffff;
	[tilespmem:v4+s18+$0x0] =	vst.idx.msk $0xffff, v57  }
0x8b: {  	s19 =	simm.s32 $0x1200;
	v54 =	vld.idx.msk [tilespmem:v34+s7+$0x0], $0xffff;
	[tilespmem:v7+s12+$0x10] =	vst.idx.msk $0xffff, v39  }
0x8c: {  	[tilespmem:v0+s19+$0x0] =	vst.idx.msk $0xffff, v53;
	v59 =	vld.idx.msk [tilespmem:v35+s11+$0x0], $0xffff;
	v35 =	vor.u32 $0x6, v29  }
0x8d: {  	v53 =	vld.idx.msk [tilespmem:v38+s7+$0x0], $0xffff;
	[tilespmem:v2+s17+$0x8] =	vst.idx.msk $0xffff, v55  }
0x8e: {  	v39 =	vor.u32 $0x2, v37;
	[tilespmem:v7+s15+$0x8] =	vst.idx.msk $0xffff, v51;
	v55 =	vld.idx.msk [tilespmem:v22+s9+$0x0], $0xffff  }
0x8f: {  	[tilespmem:v4+s16+$0x10] =	vst.idx.msk $0xffff, v41;
	v51 =	vld.idx.msk [tilespmem:v25+s10+$0x0], $0xffff  }
0x90: {  	v60 =	vld.idx.msk [tilespmem:v17+s10+$0x0], $0xffff;
	[tilespmem:v5+s18+$0x0] =	vst.idx.msk $0xffff, v54  }
0x91: {  	v54 =	vld.idx.msk [tilespmem:v35+s7+$0x0], $0xffff;
	[tilespmem:v0+s12+$0x18] =	vst.idx.msk $0xffff, v59  }
0x92: {  	[tilespmem:v1+s19+$0x0] =	vst.idx.msk $0xffff, v53;
	v45 =	vld.idx.msk [tilespmem:v36+s11+$0x0], $0xffff;
	v36 =	vor.u32 $0x7, v29  }
0x93: {  	v53 =	vld.idx.msk [tilespmem:v39+s7+$0x0], $0xffff;
	[tilespmem:v3+s17+$0x8] =	vst.idx.msk $0xffff, v55  }
0x94: {  	v41 =	vor.u32 $0x3, v37;
	[tilespmem:v0+s15+$0x10] =	vst.idx.msk $0xffff, v51;
	v55 =	vld.idx.msk [tilespmem:v21+s9+$0x0], $0xffff  }
0x95: {  	[tilespmem:v5+s16+$0x10] =	vst.idx.msk $0xffff, v60;
	v61 =	vld.idx.msk [tilespmem:v16+s10+$0x0], $0xffff  }
0x96: {  	[tilespmem:v6+s18+$0x0] =	vst.idx.msk $0xffff, v54;
	v54 =	vld.idx.msk [tilespmem:v15+s10+$0x0], $0xffff  }
0x97: {  	v56 =	vld.idx.msk [tilespmem:v36+s7+$0x0], $0xffff;
	[tilespmem:v1+s12+$0x18] =	vst.idx.msk $0xffff, v45  }
0x98: {  	[tilespmem:v2+s19+$0x0] =	vst.idx.msk $0xffff, v53;
	v45 =	vld.idx.msk [tilespmem:v40+s11+$0x0], $0xffff  }
0x99: {  	s20 =	simm.s32 $0x70;
	v57 =	vld.idx.msk [tilespmem:v41+s7+$0x0], $0xffff;
	[tilespmem:v4+s17+$0x8] =	vst.idx.msk $0xffff, v55  }
0x9a: {  	v51 =	vld [tilespmem:s20+$0x0];
	v40 =	vor.u32 $0x4, v37;
	[tilespmem:v1+s15+$0x10] =	vst.idx.msk $0xffff, v61  }
0x9b: {  	[tilespmem:v6+s16+$0x10] =	vst.idx.msk $0xffff, v54;
	v58 =	vld.idx.msk [tilespmem:v19+s9+$0x0], $0xffff  }
0x9c: {  	[tilespmem:v7+s18+$0x0] =	vst.idx.msk $0xffff, v56;
	v53 =	vld.idx.msk [tilespmem:v14+s10+$0x0], $0xffff  }
0x9d: {  	v54 =	vld.idx.msk [tilespmem:v13+s10+$0x0], $0xffff;
	[tilespmem:v2+s12+$0x18] =	vst.idx.msk $0xffff, v45;
	v45 =	vshll.u32 v52, $0x5  }
0x9e: {  	[tilespmem:v3+s19+$0x0] =	vst.idx.msk $0xffff, v57;
	v56 =	vld.idx.msk [tilespmem:v29+s9+$0x0], $0xffff  }
0x9f: {  	v63 =	vld.idx.msk [tilespmem:v40+s7+$0x0], $0xffff  }
0xa0: {  	v62 =	vld.idx.msk [tilespmem:v42+s11+$0x0], $0xffff;
	[tilespmem:v5+s17+$0x8] =	vst.idx.msk $0xffff, v58  }
0xa1: {  	v60 =	vld.idx.msk [tilespmem:v18+s9+$0x0], $0xffff  }
0xa2: {  	v42 =	vor.u32 $0x5, v37;
	[tilespmem:v7+s16+$0x10] =	vst.idx.msk $0xffff, v54;
	v61 =	vld.idx.msk [tilespmem:v45+s7+$0x0], $0xffff  }
0xa3: {  	[tilespmem:v0+s18+$0x8] =	vst.idx.msk $0xffff, v56;
	v54 =	vld.idx.msk [tilespmem:v43+s11+$0x0], $0xffff  }
0xa4: {  	[tilespmem:v2+s15+$0x10] =	vst.idx.msk $0xffff, v53;
	v56 =	vld.idx.msk [tilespmem:v30+s9+$0x0], $0xffff  }
0xa5: {  	[tilespmem:v3+s12+$0x18] =	vst.idx.msk $0xffff, v62;
	v62 =	vld.idx.msk [tilespmem:v12+s10+$0x0], $0xffff  }
0xa6: {  	[tilespmem:v4+s19+$0x0] =	vst.idx.msk $0xffff, v63;
	v55 =	vld.idx.msk [tilespmem:v46+s11+$0x0], $0xffff;
	v46 =	vor.u32 $0x1, v45  }
0xa7: {  	v63 =	vld.idx.msk [tilespmem:v42+s7+$0x0], $0xffff;
	[tilespmem:v6+s17+$0x8] =	vst.idx.msk $0xffff, v60  }
0xa8: {  	[tilespmem:v0+s16+$0x18] =	vst.idx.msk $0xffff, v54;
	v57 =	vld.idx.msk [tilespmem:v20+s9+$0x0], $0xffff  }
0xa9: {  	s20 =	simm.s32 $0x1400;
	v43 =	vor.u32 $0x6, v37;
	[tilespmem:v1+s18+$0x8] =	vst.idx.msk $0xffff, v56;
	v54 =	vld.idx.msk [tilespmem:v44+s11+$0x0], $0xffff  }
0xaa: {  	[tilespmem:v0+s20+$0x0] =	vst.idx.msk $0xffff, v61;
	v56 =	vld.idx.msk [tilespmem:v32+s9+$0x0], $0xffff  }
0xab: {  	[tilespmem:v4+s12+$0x18] =	vst.idx.msk $0xffff, v55;
	v58 =	vld.idx.msk [tilespmem:v46+s7+$0x0], $0xffff  }
0xac: {  	[tilespmem:v3+s15+$0x10] =	vst.idx.msk $0xffff, v62;
	v55 =	vld.idx.msk [tilespmem:v47+s11+$0x0], $0xffff  }
0xad: {  	[tilespmem:v5+s19+$0x0] =	vst.idx.msk $0xffff, v63;
	v52 =	vld.idx.msk [tilespmem:v11+s10+$0x0], $0xffff  }
0xae: {  	v53 =	vld.idx.msk [tilespmem:v43+s7+$0x0], $0xffff;
	v47 =	vor.u32 $0x2, v45;
	[tilespmem:v7+s17+$0x8] =	vst.idx.msk $0xffff, v57  }
0xaf: {  	[tilespmem:v1+s16+$0x18] =	vst.idx.msk $0xffff, v54;
	v57 =	vld.idx.msk [tilespmem:v26+s10+$0x0], $0xffff  }
0xb0: {  	v44 =	vor.u32 $0x7, v37;
	[tilespmem:v2+s18+$0x8] =	vst.idx.msk $0xffff, v56;
	v63 =	vld.idx.msk [tilespmem:v50+s11+$0x0], $0xffff  }
0xb1: {  	v56 =	vld.idx.msk [tilespmem:v31+s9+$0x0], $0xffff;
	[tilespmem:v5+s12+$0x18] =	vst.idx.msk $0xffff, v55  }
0xb2: {  	[tilespmem:v1+s20+$0x0] =	vst.idx.msk $0xffff, v58;
	v55 =	vld.idx.msk [tilespmem:v48+s11+$0x0], $0xffff  }
0xb3: {  	[tilespmem:v4+s15+$0x10] =	vst.idx.msk $0xffff, v52;
	v58 =	vld.idx.msk [tilespmem:v47+s7+$0x0], $0xffff  }
0xb4: {  	[tilespmem:v6+s19+$0x0] =	vst.idx.msk $0xffff, v53;
	v53 =	vld.idx.msk [tilespmem:v10+s10+$0x0], $0xffff;
	v48 =	vor.u32 $0x3, v45  }
0xb5: {  	v59 =	vld.idx.msk [tilespmem:v44+s7+$0x0], $0xffff;
	[tilespmem:v0+s17+$0x10] =	vst.idx.msk $0xffff, v57  }
0xb6: {  	[tilespmem:v3+s18+$0x8] =	vst.idx.msk $0xffff, v56;
	v61 =	vld.idx.msk [tilespmem:v24+s10+$0x0], $0xffff  }
0xb7: {  	v50 =	vld.idx.msk [tilespmem:v33+s9+$0x0], $0xffff;
	[tilespmem:v6+s12+$0x18] =	vst.idx.msk $0xffff, v55  }
0xb8: {  	[tilespmem:v2+s20+$0x0] =	vst.idx.msk $0xffff, v58;
	v49 =	vld.idx.msk [tilespmem:v49+s11+$0x0], $0xffff  }
0xb9: {  	[tilespmem:v5+s15+$0x10] =	vst.idx.msk $0xffff, v53;
	v52 =	vld.idx.msk [tilespmem:v48+s7+$0x0], $0xffff  }
0xba: {  	s21 =	simm.s32 $0x200;
	s22 =	simm.s32 $0x800;
	[tilespmem:v7+s19+$0x0] =	vst.idx.msk $0xffff, v59;
	v62 =	vld.idx.msk [tilespmem:v9+s10+$0x0], $0xffff  }
.LBB2_2:
0xbb: {  	p0 =	sne.s32 s21, $0xFC0;
	v53 =	vor.u32 $0x4, v45;
	v54 =	vld.idx.msk [tilespmem:v37+s9+$0x0], $0xffff;
	[tilespmem:v2+s16+$0x18] =	vst.idx.msk $0xffff, v63  }
0xbc: {  	[tilespmem:v4+s18+$0x8] =	vst.idx.msk $0xffff, v50;
	v50 =	vld.idx.msk [tilespmem:v28+s11+$0x0], $0xffff;
	v28 =	vmovc v12;
	v12 =	vmov v22;
	v22 =	vmov v31;
	v31 =	vmov v41  }
0xbd: {  	s23 =	sshra.s32 s21, $0x2;
	v41 =	vmov v48;
	v55 =	vld.idx.msk [tilespmem:v34+s9+$0x0], $0xffff;
	[tilespmem:v7+s22+$0x18] =	vst.idx.msk $0xffff, v49;
	s22 =	smov.u32 s16;
	s16 =	smov.u32 s15  }
0xbe: {  	s15 =	smov.u32 s17;
	v48 =	vld [tilespmem:s23+$0x0];
	[tilespmem:v1+s17+$0x10] =	vst.idx.msk $0xffff, v61;
	s17 =	smov.u32 s18;
	s18 =	smov.u32 s19  }
0xbf: {  	s19 =	smov.u32 s20;
	[tilespmem:v3+s20+$0x0] =	vst.idx.msk $0xffff, v52;
	v49 =	vld.idx.msk [tilespmem:v23+s10+$0x0], $0xffff  }
0xc0: {  	v52 =	vshll.u32 v51, $0x5;
	v56 =	vld.idx.msk [tilespmem:v53+s7+$0x0], $0xffff;
	[tilespmem:v6+s16+$0x10] =	vst.idx.msk $0xffff, v62  }
0xc1: {  	[tilespmem:v0+s18+$0x8] =	vst.idx.msk $0xffff, v54;
	v54 =	vld.idx.msk [tilespmem:v8+s10+$0x0], $0xffff  }
0xc2: {  	v57 =	vor.u32 $0x5, v45;
	v58 =	vld.idx.msk [tilespmem:v38+s9+$0x0], $0xffff;
	[tilespmem:v3+s22+$0x18] =	vst.idx.msk $0xffff, v50  }
0xc3: {  	[tilespmem:v5+s17+$0x8] =	vst.idx.msk $0xffff, v55;
	v50 =	vld.idx.msk [tilespmem:v27+s11+$0x0], $0xffff;
	v27 =	vmovc v11;
	v11 =	vmov v21;
	v21 =	vmov v33;
	v33 =	vmov v40  }
0xc4: {  	v40 =	vmov v53;
	v51 =	vmov v48;
	v55 =	vld.idx.msk [tilespmem:v35+s9+$0x0], $0xffff  }
0xc5: {  	v48 =	vld.idx.msk [tilespmem:v52+s7+$0x0], $0xffff;
	[tilespmem:v2+s15+$0x10] =	vst.idx.msk $0xffff, v49  }
0xc6: {  	[tilespmem:v4+s20+$0x0] =	vst.idx.msk $0xffff, v56;
	v49 =	vld.idx.msk [tilespmem:v12+s10+$0x0], $0xffff  }
0xc7: {  	v53 =	vor.u32 $0x1, v52;
	v56 =	vld.idx.msk [tilespmem:v57+s7+$0x0], $0xffff;
	[tilespmem:v7+s16+$0x10] =	vst.idx.msk $0xffff, v54  }
0xc8: {  	[tilespmem:v1+s18+$0x8] =	vst.idx.msk $0xffff, v58;
	v54 =	vld.idx.msk [tilespmem:v25+s11+$0x0], $0xffff;
	v25 =	vmovc v26;
	v26 =	vmov v29;
	v29 =	vmov v37;
	v37 =	vmov v45  }
0xc9: {  	v45 =	vmov v52;
	v58 =	vor.u32 $0x6, v37;
	v59 =	vld.idx.msk [tilespmem:v39+s9+$0x0], $0xffff;
	[tilespmem:v4+s22+$0x18] =	vst.idx.msk $0xffff, v50  }
0xca: {  	s20 =	sadd.s32 $0x200, s20;
	[tilespmem:v6+s17+$0x8] =	vst.idx.msk $0xffff, v55;
	v50 =	vld.idx.msk [tilespmem:v17+s11+$0x0], $0xffff;
	v17 =	vmovc v10;
	v10 =	vmov v19;
	v19 =	vmov v34;
	v34 =	vmov v42  }
0xcb: {  	v42 =	vmov v57;
	[tilespmem:v0+s20+$0x0] =	vst.idx.msk $0xffff, v48;
	v48 =	vld.idx.msk [tilespmem:v36+s9+$0x0], $0xffff  }
0xcc: {  	v52 =	vld.idx.msk [tilespmem:v53+s7+$0x0], $0xffff;
	[tilespmem:v3+s15+$0x10] =	vst.idx.msk $0xffff, v49  }
0xcd: {  	[tilespmem:v5+s19+$0x0] =	vst.idx.msk $0xffff, v56;
	v49 =	vld.idx.msk [tilespmem:v11+s10+$0x0], $0xffff  }
0xce: {  	v55 =	vor.u32 $0x2, v45;
	v56 =	vld.idx.msk [tilespmem:v58+s7+$0x0], $0xffff;
	[tilespmem:v0+s16+$0x18] =	vst.idx.msk $0xffff, v54  }
0xcf: {  	[tilespmem:v2+s18+$0x8] =	vst.idx.msk $0xffff, v59;
	v54 =	vld.idx.msk [tilespmem:v16+s11+$0x0], $0xffff;
	v16 =	vmovc v24;
	v24 =	vmov v30;
	v30 =	vmov v38;
	v38 =	vmov v46  }
0xd0: {  	v57 =	vor.u32 $0x7, v37;
	v46 =	vmov v53;
	v59 =	vld.idx.msk [tilespmem:v31+s9+$0x0], $0xffff;
	[tilespmem:v5+s22+$0x18] =	vst.idx.msk $0xffff, v50  }
0xd1: {  	[tilespmem:v7+s17+$0x8] =	vst.idx.msk $0xffff, v48;
	v53 =	vld.idx.msk [tilespmem:v15+s11+$0x0], $0xffff;
	v15 =	vmovc v9;
	v9 =	vmov v18;
	v18 =	vmov v35;
	v35 =	vmov v43  }
0xd2: {  	v43 =	vmov v58;
	[tilespmem:v1+s20+$0x0] =	vst.idx.msk $0xffff, v52;
	v52 =	vld.idx.msk [tilespmem:v26+s10+$0x0], $0xffff  }
0xd3: {  	v58 =	vld.idx.msk [tilespmem:v55+s7+$0x0], $0xffff;
	[tilespmem:v4+s15+$0x10] =	vst.idx.msk $0xffff, v49  }
0xd4: {  	[tilespmem:v6+s19+$0x0] =	vst.idx.msk $0xffff, v56;
	v56 =	vld.idx.msk [tilespmem:v10+s10+$0x0], $0xffff  }
0xd5: {  	v48 =	vor.u32 $0x3, v45;
	v60 =	vld.idx.msk [tilespmem:v57+s7+$0x0], $0xffff;
	[tilespmem:v1+s16+$0x18] =	vst.idx.msk $0xffff, v54  }
0xd6: {  	[tilespmem:v3+s18+$0x8] =	vst.idx.msk $0xffff, v59;
	v63 =	vld.idx.msk [tilespmem:v14+s11+$0x0], $0xffff;
	v14 =	vmovc v23;
	v23 =	vmov v32;
	v32 =	vmov v39;
	v39 =	vmov v47  }
.Ltmp0:
0xd7: {  	v47 =	vmov v55;
	v50 =	vld.idx.msk [tilespmem:v33+s9+$0x0], $0xffff;
	[tilespmem:v6+s22+$0x18] =	vst.idx.msk $0xffff, v53;
	(pc) =	sbr.rel @p0 .LBB2_2-.Ltmp0, $4  }
0xd8: {  	[tilespmem:v0+s17+$0x10] =	vst.idx.msk $0xffff, v52;
	v49 =	vld.idx.msk [tilespmem:v13+s11+$0x0], $0xffff;
	v13 =	vmovc v8;
	v8 =	vmov v20;
	v20 =	vmov v36;
	v36 =	vmov v44  }
0xd9: {  	v44 =	vmov v57;
	[tilespmem:v2+s20+$0x0] =	vst.idx.msk $0xffff, v58;
	v61 =	vld.idx.msk [tilespmem:v24+s10+$0x0], $0xffff  }
0xda: {  	v52 =	vld.idx.msk [tilespmem:v48+s7+$0x0], $0xffff;
	[tilespmem:v5+s15+$0x10] =	vst.idx.msk $0xffff, v56  }
0xdb: {  	s21 =	sadd.s32 $0x40, s21;
	[tilespmem:v7+s19+$0x0] =	vst.idx.msk $0xffff, v60;
	v62 =	vld.idx.msk [tilespmem:v9+s10+$0x0], $0xffff  }
0xdc: {  	v60 =	vshll.u32 v51, $0x5;
	_ =	sdelay $0x4  }
0xdd: {  	v51 =	vld.idx.msk [tilespmem:v60+s7+$0x0], $0xffff  }
0xde: {  	v55 =	vor.u32 $0x1, v60;
	_ =	sdelay $0x2  }
0xdf: {  	s21 =	sadd.s32 $0x200, s20  }
0xe0: {  	[tilespmem:v0+s21+$0x0] =	vst.idx.msk $0xffff, v51  }
0xe1: {  	v51 =	vld.idx.msk [tilespmem:v55+s7+$0x0], $0xffff  }
0xe2: {  	v56 =	vor.u32 $0x2, v60;
	_ =	sdelay $0x2  }
0xe3: {  	[tilespmem:$0x1FF90] =	vst v55  }
0xe4: {  	[tilespmem:v1+s21+$0x0] =	vst.idx.msk $0xffff, v51  }
0xe5: {  	v51 =	vld.idx.msk [tilespmem:v56+s7+$0x0], $0xffff  }
0xe6: {  	v57 =	vor.u32 $0x3, v60;
	_ =	sdelay $0x2  }
0xe7: {  	[tilespmem:$0x1FFA0] =	vst v56  }
0xe8: {  	[tilespmem:v2+s21+$0x0] =	vst.idx.msk $0xffff, v51  }
0xe9: {  	v51 =	vld.idx.msk [tilespmem:v57+s7+$0x0], $0xffff  }
0xea: {  	v58 =	vor.u32 $0x4, v45  }
0xeb: {  	v53 =	vor.u32 $0x4, v60  }
0xec: {  	[tilespmem:$0x1FF80] =	vst v53  }
0xed: {  	[tilespmem:v3+s20+$0x0] =	vst.idx.msk $0xffff, v52  }
0xee: {  	v54 =	vor.u32 $0x5, v45;
	[tilespmem:v3+s21+$0x0] =	vst.idx.msk $0xffff, v51  }
0xef: {  	v52 =	vld.idx.msk [tilespmem:v58+s7+$0x0], $0xffff;
	[tilespmem:$0x1FFB0] =	vst v54  }
0xf0: {  	v51 =	vld.idx.msk [tilespmem:v53+s7+$0x0], $0xffff;
	_ =	sdelay $0x1  }
0xf1: {  	v59 =	vor.u32 $0x5, v60;
	_ =	sdelay $0x1  }
0xf2: {  	[tilespmem:v4+s20+$0x0] =	vst.idx.msk $0xffff, v52  }
0xf3: {  	v52 =	vld.idx.msk [tilespmem:v54+s7+$0x0], $0xffff;
	v54 =	vor.u32 $0x6, v45;
	[tilespmem:v4+s21+$0x0] =	vst.idx.msk $0xffff, v51  }
0xf4: {  	[tilespmem:$0x1FFD0] =	vst v54  }
0xf5: {  	v51 =	vld.idx.msk [tilespmem:v59+s7+$0x0], $0xffff  }
0xf6: {  	v53 =	vor.u32 $0x6, v60;
	[tilespmem:$0x1FFC0] =	vst v59  }
0xf7: {  	[tilespmem:$0x1FFE0] =	vst v53  }
0xf8: {  	[tilespmem:v5+s20+$0x0] =	vst.idx.msk $0xffff, v52  }
0xf9: {  	v52 =	vld.idx.msk [tilespmem:v54+s7+$0x0], $0xffff  }
0xfa: {  	[tilespmem:v5+s21+$0x0] =	vst.idx.msk $0xffff, v51;
	v51 =	vor.u32 $0x7, v45  }
0xfb: {  	[tilespmem:$0x1FFF0] =	vst v51  }
0xfc: {  	v54 =	vld.idx.msk [tilespmem:v53+s7+$0x0], $0xffff  }
0xfd: {  	v53 =	vor.u32 $0x7, v60  }
0xfe: {  	[tilespmem:v6+s20+$0x0] =	vst.idx.msk $0xffff, v52  }
0xff: {  	v52 =	vld.idx.msk [tilespmem:v51+s7+$0x0], $0xffff;
	_ =	sdelay $0x1  }
0x100: {  	[tilespmem:v6+s21+$0x0] =	vst.idx.msk $0xffff, v54  }
0x101: {  	v51 =	vld.idx.msk [tilespmem:v53+s7+$0x0], $0xffff;
	_ =	sdelay $0x1  }
0x102: {  	v54 =	vmov v53;
	v53 =	vld.idx.msk [tilespmem:v37+s9+$0x0], $0xffff;
	[tilespmem:v7+s20+$0x0] =	vst.idx.msk $0xffff, v52  }
0x103: {  	v52 =	vld.idx.msk [tilespmem:v45+s9+$0x0], $0xffff;
	_ =	sdelay $0x1  }
0x104: {  	[tilespmem:v7+s21+$0x0] =	vst.idx.msk $0xffff, v51  }
0x105: {  	v51 =	vld.idx.msk [tilespmem:v60+s9+$0x0], $0xffff  }
0x106: {  	[tilespmem:v0+s19+$0x8] =	vst.idx.msk $0xffff, v53  }
0x107: {  	v53 =	vld.idx.msk [tilespmem:v38+s9+$0x0], $0xffff;
	[tilespmem:v0+s20+$0x8] =	vst.idx.msk $0xffff, v52  }
0x108: {  	v52 =	vld.idx.msk [tilespmem:v46+s9+$0x0], $0xffff;
	_ =	sdelay $0x1  }
0x109: {  	[tilespmem:v0+s21+$0x8] =	vst.idx.msk $0xffff, v51  }
0x10a: {  	v51 =	vld.idx.msk [tilespmem:v55+s9+$0x0], $0xffff  }
0x10b: {  	[tilespmem:v1+s19+$0x8] =	vst.idx.msk $0xffff, v53  }
0x10c: {  	v53 =	vld.idx.msk [tilespmem:v39+s9+$0x0], $0xffff;
	[tilespmem:v1+s20+$0x8] =	vst.idx.msk $0xffff, v52  }
0x10d: {  	v52 =	vld.idx.msk [tilespmem:v47+s9+$0x0], $0xffff;
	_ =	sdelay $0x1  }
0x10e: {  	[tilespmem:v1+s21+$0x8] =	vst.idx.msk $0xffff, v51  }
0x10f: {  	v51 =	vld.idx.msk [tilespmem:v56+s9+$0x0], $0xffff  }
0x110: {  	[tilespmem:v2+s19+$0x8] =	vst.idx.msk $0xffff, v53  }
0x111: {  	v53 =	vld.idx.msk [tilespmem:v41+s9+$0x0], $0xffff;
	[tilespmem:v2+s20+$0x8] =	vst.idx.msk $0xffff, v52  }
0x112: {  	v52 =	vld.idx.msk [tilespmem:v48+s9+$0x0], $0xffff;
	_ =	sdelay $0x1  }
0x113: {  	[tilespmem:v2+s21+$0x8] =	vst.idx.msk $0xffff, v51  }
0x114: {  	v51 =	vld.idx.msk [tilespmem:v57+s9+$0x0], $0xffff  }
0x115: {  	[tilespmem:v3+s19+$0x8] =	vst.idx.msk $0xffff, v53  }
0x116: {  	v53 =	vld.idx.msk [tilespmem:v40+s9+$0x0], $0xffff;
	[tilespmem:v3+s20+$0x8] =	vst.idx.msk $0xffff, v52  }
0x117: {  	v52 =	vld.idx.msk [tilespmem:v58+s9+$0x0], $0xffff;
	_ =	sdelay $0x1  }
0x118: {  	[tilespmem:v3+s21+$0x8] =	vst.idx.msk $0xffff, v51  }
0x119: {  	v55 =	vld [tilespmem:$0x1FF80];
	[tilespmem:v4+s18+$0x8] =	vst.idx.msk $0xffff, v50  }
0x11a: {  	[tilespmem:v4+s19+$0x8] =	vst.idx.msk $0xffff, v53  }
0x11b: {  	[tilespmem:v4+s20+$0x8] =	vst.idx.msk $0xffff, v52  }
0x11c: {  	v52 =	vld [tilespmem:$0x1FFB0];
	_ =	sdelay $0x4  }
0x11d: {  	v50 =	vld.idx.msk [tilespmem:v34+s9+$0x0], $0xffff  }
0x11e: {  	v53 =	vld.idx.msk [tilespmem:v42+s9+$0x0], $0xffff  }
0x11f: {  	v51 =	vld.idx.msk [tilespmem:v55+s9+$0x0], $0xffff  }
0x120: {  	v52 =	vld.idx.msk [tilespmem:v52+s9+$0x0], $0xffff;
	_ =	sdelay $0x1  }
0x121: {  	[tilespmem:v5+s18+$0x8] =	vst.idx.msk $0xffff, v50  }
0x122: {  	[tilespmem:v5+s19+$0x8] =	vst.idx.msk $0xffff, v53  }
0x123: {  	[tilespmem:v4+s21+$0x8] =	vst.idx.msk $0xffff, v51  }
0x124: {  	v51 =	vld.idx.msk [tilespmem:v59+s9+$0x0], $0xffff;
	[tilespmem:v5+s20+$0x8] =	vst.idx.msk $0xffff, v52  }
0x125: {  	v52 =	vld [tilespmem:$0x1FFD0];
	_ =	sdelay $0x3  }
0x126: {  	[tilespmem:v5+s21+$0x8] =	vst.idx.msk $0xffff, v51  }
0x127: {  	v51 =	vld [tilespmem:$0x1FFE0]  }
0x128: {  	v50 =	vld.idx.msk [tilespmem:v35+s9+$0x0], $0xffff  }
0x129: {  	v53 =	vld.idx.msk [tilespmem:v43+s9+$0x0], $0xffff  }
0x12a: {  	v52 =	vld.idx.msk [tilespmem:v52+s9+$0x0], $0xffff;
	_ =	sdelay $0x2  }
0x12b: {  	[tilespmem:v6+s18+$0x8] =	vst.idx.msk $0xffff, v50  }
0x12c: {  	[tilespmem:v6+s19+$0x8] =	vst.idx.msk $0xffff, v53  }
0x12d: {  	v51 =	vld.idx.msk [tilespmem:v51+s9+$0x0], $0xffff;
	[tilespmem:v6+s20+$0x8] =	vst.idx.msk $0xffff, v52  }
0x12e: {  	v52 =	vld [tilespmem:$0x1FFF0];
	_ =	sdelay $0x3  }
0x12f: {  	v50 =	vld.idx.msk [tilespmem:v36+s9+$0x0], $0xffff  }
0x130: {  	v53 =	vld.idx.msk [tilespmem:v44+s9+$0x0], $0xffff;
	[tilespmem:v6+s21+$0x8] =	vst.idx.msk $0xffff, v51  }
0x131: {  	v51 =	vld.idx.msk [tilespmem:v54+s9+$0x0], $0xffff;
	_ =	sdelay $0x1  }
0x132: {  	v52 =	vld.idx.msk [tilespmem:v52+s9+$0x0], $0xffff  }
0x133: {  	[tilespmem:v7+s18+$0x8] =	vst.idx.msk $0xffff, v50  }
0x134: {  	[tilespmem:v7+s19+$0x8] =	vst.idx.msk $0xffff, v53  }
0x135: {  	v50 =	vld.idx.msk [tilespmem:v29+s10+$0x0], $0xffff;
	[tilespmem:v7+s21+$0x8] =	vst.idx.msk $0xffff, v51  }
0x136: {  	[tilespmem:v7+s22+$0x18] =	vst.idx.msk $0xffff, v49;
	v59 =	vld.idx.msk [tilespmem:v60+s10+$0x0], $0xffff  }
0x137: {  	[tilespmem:v7+s20+$0x8] =	vst.idx.msk $0xffff, v52;
	v52 =	vld.idx.msk [tilespmem:v37+s10+$0x0], $0xffff  }
0x138: {  	v56 =	vmov v58;
	[tilespmem:v2+s16+$0x18] =	vst.idx.msk $0xffff, v63;
	v58 =	vld.idx.msk [tilespmem:v45+s10+$0x0], $0xffff  }
0x139: {  	[tilespmem:v1+s17+$0x10] =	vst.idx.msk $0xffff, v61  }
0x13a: {  	[tilespmem:v0+s18+$0x10] =	vst.idx.msk $0xffff, v50  }
0x13b: {  	[tilespmem:v0+s21+$0x10] =	vst.idx.msk $0xffff, v59  }
0x13c: {  	[tilespmem:v0+s19+$0x10] =	vst.idx.msk $0xffff, v52  }
0x13d: {  	[tilespmem:v0+s20+$0x10] =	vst.idx.msk $0xffff, v58  }
0x13e: {  	v58 =	vld [tilespmem:$0x1FF90];
	_ =	sdelay $0x3  }
0x13f: {  	v50 =	vld.idx.msk [tilespmem:v30+s10+$0x0], $0xffff  }
0x140: {  	v28 =	vld.idx.msk [tilespmem:v28+s11+$0x0], $0xffff  }
0x141: {  	v51 =	vld.idx.msk [tilespmem:v38+s10+$0x0], $0xffff  }
0x142: {  	v63 =	vld.idx.msk [tilespmem:v46+s10+$0x0], $0xffff  }
0x143: {  	[tilespmem:v6+s15+$0x10] =	vst.idx.msk $0xffff, v62;
	v59 =	vld.idx.msk [tilespmem:v58+s10+$0x0], $0xffff  }
0x144: {  	[tilespmem:v1+s18+$0x10] =	vst.idx.msk $0xffff, v50  }
0x145: {  	[tilespmem:v3+s16+$0x18] =	vst.idx.msk $0xffff, v28  }
0x146: {  	[tilespmem:v1+s19+$0x10] =	vst.idx.msk $0xffff, v51  }
0x147: {  	[tilespmem:v1+s20+$0x10] =	vst.idx.msk $0xffff, v63  }
0x148: {  	[tilespmem:v1+s21+$0x10] =	vst.idx.msk $0xffff, v59  }
0x149: {  	v59 =	vld [tilespmem:$0x1FFA0];
	_ =	sdelay $0x3  }
0x14a: {  	v61 =	vld.idx.msk [tilespmem:v23+s10+$0x0], $0xffff  }
0x14b: {  	v51 =	vld.idx.msk [tilespmem:v32+s10+$0x0], $0xffff  }
0x14c: {  	v62 =	vld.idx.msk [tilespmem:v39+s10+$0x0], $0xffff  }
0x14d: {  	v63 =	vld.idx.msk [tilespmem:v47+s10+$0x0], $0xffff  }
0x14e: {  	v28 =	vld.idx.msk [tilespmem:v59+s10+$0x0], $0xffff  }
0x14f: {  	[tilespmem:v2+s17+$0x10] =	vst.idx.msk $0xffff, v61;
	v61 =	vld.idx.msk [tilespmem:v8+s10+$0x0], $0xffff  }
0x150: {  	[tilespmem:v2+s18+$0x10] =	vst.idx.msk $0xffff, v51;
	v51 =	vld.idx.msk [tilespmem:v22+s10+$0x0], $0xffff  }
0x151: {  	[tilespmem:v2+s19+$0x10] =	vst.idx.msk $0xffff, v62;
	v62 =	vld.idx.msk [tilespmem:v31+s10+$0x0], $0xffff  }
0x152: {  	[tilespmem:v2+s20+$0x10] =	vst.idx.msk $0xffff, v63;
	v63 =	vld.idx.msk [tilespmem:v41+s10+$0x0], $0xffff  }
0x153: {  	[tilespmem:v2+s21+$0x10] =	vst.idx.msk $0xffff, v28;
	v28 =	vld.idx.msk [tilespmem:v48+s10+$0x0], $0xffff  }
0x154: {  	[tilespmem:v7+s15+$0x10] =	vst.idx.msk $0xffff, v61;
	v61 =	vld.idx.msk [tilespmem:v57+s10+$0x0], $0xffff  }
0x155: {  	v27 =	vld.idx.msk [tilespmem:v27+s11+$0x0], $0xffff;
	[tilespmem:v3+s17+$0x10] =	vst.idx.msk $0xffff, v51  }
0x156: {  	[tilespmem:v3+s18+$0x10] =	vst.idx.msk $0xffff, v62;
	v62 =	vld.idx.msk [tilespmem:v21+s10+$0x0], $0xffff  }
0x157: {  	[tilespmem:v3+s19+$0x10] =	vst.idx.msk $0xffff, v63;
	v63 =	vld.idx.msk [tilespmem:v33+s10+$0x0], $0xffff  }
0x158: {  	v52 =	vld.idx.msk [tilespmem:v40+s10+$0x0], $0xffff;
	[tilespmem:v3+s20+$0x10] =	vst.idx.msk $0xffff, v28  }
0x159: {  	[tilespmem:v3+s21+$0x10] =	vst.idx.msk $0xffff, v61;
	v53 =	vld.idx.msk [tilespmem:v56+s10+$0x0], $0xffff  }
0x15a: {  	[tilespmem:v4+s16+$0x18] =	vst.idx.msk $0xffff, v27;
	v61 =	vld.idx.msk [tilespmem:v55+s10+$0x0], $0xffff  }
0x15b: {  	v25 =	vld.idx.msk [tilespmem:v25+s11+$0x0], $0xffff;
	[tilespmem:v4+s17+$0x10] =	vst.idx.msk $0xffff, v62  }
0x15c: {  	[tilespmem:v4+s18+$0x10] =	vst.idx.msk $0xffff, v63  }
0x15d: {  	[tilespmem:v4+s19+$0x10] =	vst.idx.msk $0xffff, v52  }
0x15e: {  	[tilespmem:v4+s20+$0x10] =	vst.idx.msk $0xffff, v53  }
0x15f: {  	[tilespmem:v4+s21+$0x10] =	vst.idx.msk $0xffff, v61  }
0x160: {  	v53 =	vld [tilespmem:$0x1FFB0];
	[tilespmem:v0+s15+$0x18] =	vst.idx.msk $0xffff, v25  }
0x161: {  	v52 =	vld [tilespmem:$0x1FFC0];
	_ =	sdelay $0x3  }
0x162: {  	v49 =	vld.idx.msk [tilespmem:v19+s10+$0x0], $0xffff  }
0x163: {  	v28 =	vld.idx.msk [tilespmem:v34+s10+$0x0], $0xffff  }
0x164: {  	v62 =	vld.idx.msk [tilespmem:v42+s10+$0x0], $0xffff  }
0x165: {  	v63 =	vld.idx.msk [tilespmem:v53+s10+$0x0], $0xffff  }
0x166: {  	v61 =	vld.idx.msk [tilespmem:v52+s10+$0x0], $0xffff  }
0x167: {  	v17 =	vld.idx.msk [tilespmem:v17+s11+$0x0], $0xffff;
	[tilespmem:v5+s17+$0x10] =	vst.idx.msk $0xffff, v49  }
0x168: {  	[tilespmem:v5+s18+$0x10] =	vst.idx.msk $0xffff, v28  }
0x169: {  	[tilespmem:v5+s19+$0x10] =	vst.idx.msk $0xffff, v62  }
0x16a: {  	[tilespmem:v5+s20+$0x10] =	vst.idx.msk $0xffff, v63  }
0x16b: {  	[tilespmem:v5+s21+$0x10] =	vst.idx.msk $0xffff, v61  }
0x16c: {  	v51 =	vld [tilespmem:$0x1FFD0];
	[tilespmem:v5+s16+$0x18] =	vst.idx.msk $0xffff, v17  }
0x16d: {  	v50 =	vld [tilespmem:$0x1FFE0];
	_ =	sdelay $0x3  }
0x16e: {  	v28 =	vld.idx.msk [tilespmem:v18+s10+$0x0], $0xffff  }
0x16f: {  	v49 =	vld.idx.msk [tilespmem:v35+s10+$0x0], $0xffff  }
0x170: {  	v62 =	vld.idx.msk [tilespmem:v43+s10+$0x0], $0xffff  }
0x171: {  	v63 =	vld.idx.msk [tilespmem:v51+s10+$0x0], $0xffff  }
0x172: {  	v61 =	vld.idx.msk [tilespmem:v50+s10+$0x0], $0xffff  }
0x173: {  	[tilespmem:v6+s17+$0x10] =	vst.idx.msk $0xffff, v28  }
0x174: {  	[tilespmem:v6+s18+$0x10] =	vst.idx.msk $0xffff, v49  }
0x175: {  	[tilespmem:v6+s19+$0x10] =	vst.idx.msk $0xffff, v62  }
0x176: {  	[tilespmem:v6+s20+$0x10] =	vst.idx.msk $0xffff, v63  }
0x177: {  	[tilespmem:v6+s21+$0x10] =	vst.idx.msk $0xffff, v61  }
0x178: {  	v49 =	vld [tilespmem:$0x1FFF0];
	_ =	sdelay $0x3  }
0x179: {  	v16 =	vld.idx.msk [tilespmem:v16+s11+$0x0], $0xffff  }
0x17a: {  	v62 =	vld.idx.msk [tilespmem:v36+s10+$0x0], $0xffff  }
0x17b: {  	v63 =	vld.idx.msk [tilespmem:v44+s10+$0x0], $0xffff  }
0x17c: {  	v28 =	vld.idx.msk [tilespmem:v20+s10+$0x0], $0xffff  }
0x17d: {  	v17 =	vld.idx.msk [tilespmem:v49+s10+$0x0], $0xffff  }
0x17e: {  	[tilespmem:v1+s15+$0x18] =	vst.idx.msk $0xffff, v16;
	v61 =	vld.idx.msk [tilespmem:v54+s10+$0x0], $0xffff  }
0x17f: {  	v15 =	vld.idx.msk [tilespmem:v15+s11+$0x0], $0xffff;
	[tilespmem:v7+s18+$0x10] =	vst.idx.msk $0xffff, v62  }
0x180: {  	v62 =	vld.idx.msk [tilespmem:v29+s11+$0x0], $0xffff;
	[tilespmem:v7+s19+$0x10] =	vst.idx.msk $0xffff, v63  }
0x181: {  	[tilespmem:v7+s17+$0x10] =	vst.idx.msk $0xffff, v28;
	v63 =	vld.idx.msk [tilespmem:v37+s11+$0x0], $0xffff  }
0x182: {  	v26 =	vld.idx.msk [tilespmem:v26+s11+$0x0], $0xffff;
	[tilespmem:v7+s20+$0x10] =	vst.idx.msk $0xffff, v17  }
0x183: {  	[tilespmem:v7+s21+$0x10] =	vst.idx.msk $0xffff, v61;
	v17 =	vld.idx.msk [tilespmem:v45+s11+$0x0], $0xffff  }
0x184: {  	[tilespmem:v6+s16+$0x18] =	vst.idx.msk $0xffff, v15;
	v37 =	vld.idx.msk [tilespmem:v60+s11+$0x0], $0xffff  }
0x185: {  	v14 =	vld.idx.msk [tilespmem:v14+s11+$0x0], $0xffff;
	[tilespmem:v0+s18+$0x18] =	vst.idx.msk $0xffff, v62  }
0x186: {  	v60 =	vld.idx.msk [tilespmem:v30+s11+$0x0], $0xffff;
	[tilespmem:v0+s19+$0x18] =	vst.idx.msk $0xffff, v63  }
0x187: {  	[tilespmem:v0+s17+$0x18] =	vst.idx.msk $0xffff, v26;
	v61 =	vld.idx.msk [tilespmem:v38+s11+$0x0], $0xffff  }
0x188: {  	v45 =	vld.idx.msk [tilespmem:v24+s11+$0x0], $0xffff;
	[tilespmem:v0+s20+$0x18] =	vst.idx.msk $0xffff, v17  }
0x189: {  	[tilespmem:v0+s21+$0x18] =	vst.idx.msk $0xffff, v37;
	v17 =	vld.idx.msk [tilespmem:v46+s11+$0x0], $0xffff  }
0x18a: {  	[tilespmem:v2+s15+$0x18] =	vst.idx.msk $0xffff, v14;
	v62 =	vld.idx.msk [tilespmem:v58+s11+$0x0], $0xffff  }
0x18b: {  	v13 =	vld.idx.msk [tilespmem:v13+s11+$0x0], $0xffff;
	[tilespmem:v1+s18+$0x18] =	vst.idx.msk $0xffff, v60  }
0x18c: {  	v26 =	vld.idx.msk [tilespmem:v32+s11+$0x0], $0xffff;
	[tilespmem:v1+s19+$0x18] =	vst.idx.msk $0xffff, v61  }
0x18d: {  	v27 =	vld.idx.msk [tilespmem:v39+s11+$0x0], $0xffff;
	[tilespmem:v1+s17+$0x18] =	vst.idx.msk $0xffff, v45  }
0x18e: {  	v63 =	vld.idx.msk [tilespmem:v23+s11+$0x0], $0xffff;
	[tilespmem:v1+s20+$0x18] =	vst.idx.msk $0xffff, v17  }
0x18f: {  	[tilespmem:v1+s21+$0x18] =	vst.idx.msk $0xffff, v62;
	v17 =	vld.idx.msk [tilespmem:v47+s11+$0x0], $0xffff  }
0x190: {  	[tilespmem:v7+s16+$0x18] =	vst.idx.msk $0xffff, v13;
	v28 =	vld.idx.msk [tilespmem:v59+s11+$0x0], $0xffff  }
0x191: {  	v12 =	vld.idx.msk [tilespmem:v12+s11+$0x0], $0xffff;
	[tilespmem:v2+s18+$0x18] =	vst.idx.msk $0xffff, v26  }
0x192: {  	v30 =	vld.idx.msk [tilespmem:v31+s11+$0x0], $0xffff;
	[tilespmem:v2+s19+$0x18] =	vst.idx.msk $0xffff, v27  }
0x193: {  	v31 =	vld.idx.msk [tilespmem:v41+s11+$0x0], $0xffff;
	[tilespmem:v2+s17+$0x18] =	vst.idx.msk $0xffff, v63  }
0x194: {  	v29 =	vld.idx.msk [tilespmem:v22+s11+$0x0], $0xffff;
	[tilespmem:v2+s20+$0x18] =	vst.idx.msk $0xffff, v17  }
0x195: {  	[tilespmem:v2+s21+$0x18] =	vst.idx.msk $0xffff, v28;
	v17 =	vld.idx.msk [tilespmem:v48+s11+$0x0], $0xffff  }
0x196: {  	[tilespmem:v3+s15+$0x18] =	vst.idx.msk $0xffff, v12;
	v32 =	vld.idx.msk [tilespmem:v57+s11+$0x0], $0xffff  }
0x197: {  	v11 =	vld.idx.msk [tilespmem:v11+s11+$0x0], $0xffff;
	[tilespmem:v3+s18+$0x18] =	vst.idx.msk $0xffff, v30  }
0x198: {  	v38 =	vld.idx.msk [tilespmem:v33+s11+$0x0], $0xffff;
	[tilespmem:v3+s19+$0x18] =	vst.idx.msk $0xffff, v31  }
0x199: {  	v39 =	vld.idx.msk [tilespmem:v40+s11+$0x0], $0xffff;
	[tilespmem:v3+s17+$0x18] =	vst.idx.msk $0xffff, v29  }
0x19a: {  	v37 =	vld.idx.msk [tilespmem:v21+s11+$0x0], $0xffff;
	[tilespmem:v3+s20+$0x18] =	vst.idx.msk $0xffff, v17  }
0x19b: {  	[tilespmem:v3+s21+$0x18] =	vst.idx.msk $0xffff, v32;
	v40 =	vld.idx.msk [tilespmem:v56+s11+$0x0], $0xffff  }
0x19c: {  	[tilespmem:v4+s15+$0x18] =	vst.idx.msk $0xffff, v11;
	v41 =	vld.idx.msk [tilespmem:v55+s11+$0x0], $0xffff  }
0x19d: {  	v10 =	vld.idx.msk [tilespmem:v10+s11+$0x0], $0xffff;
	[tilespmem:v4+s18+$0x18] =	vst.idx.msk $0xffff, v38  }
0x19e: {  	v46 =	vld.idx.msk [tilespmem:v34+s11+$0x0], $0xffff;
	[tilespmem:v4+s19+$0x18] =	vst.idx.msk $0xffff, v39  }
0x19f: {  	v47 =	vld.idx.msk [tilespmem:v42+s11+$0x0], $0xffff;
	[tilespmem:v4+s17+$0x18] =	vst.idx.msk $0xffff, v37  }
0x1a0: {  	v45 =	vld.idx.msk [tilespmem:v19+s11+$0x0], $0xffff;
	[tilespmem:v4+s20+$0x18] =	vst.idx.msk $0xffff, v40  }
0x1a1: {  	[tilespmem:v4+s21+$0x18] =	vst.idx.msk $0xffff, v41;
	v48 =	vld.idx.msk [tilespmem:v53+s11+$0x0], $0xffff  }
0x1a2: {  	[tilespmem:v5+s15+$0x18] =	vst.idx.msk $0xffff, v10;
	v53 =	vld.idx.msk [tilespmem:v52+s11+$0x0], $0xffff  }
0x1a3: {  	v9 =	vld.idx.msk [tilespmem:v9+s11+$0x0], $0xffff;
	[tilespmem:v5+s18+$0x18] =	vst.idx.msk $0xffff, v46  }
0x1a4: {  	v56 =	vld.idx.msk [tilespmem:v35+s11+$0x0], $0xffff;
	[tilespmem:v5+s19+$0x18] =	vst.idx.msk $0xffff, v47  }
0x1a5: {  	v57 =	vld.idx.msk [tilespmem:v43+s11+$0x0], $0xffff;
	[tilespmem:v5+s17+$0x18] =	vst.idx.msk $0xffff, v45  }
0x1a6: {  	v55 =	vld.idx.msk [tilespmem:v18+s11+$0x0], $0xffff;
	[tilespmem:v5+s20+$0x18] =	vst.idx.msk $0xffff, v48  }
0x1a7: {  	[tilespmem:v5+s21+$0x18] =	vst.idx.msk $0xffff, v53;
	v58 =	vld.idx.msk [tilespmem:v51+s11+$0x0], $0xffff  }
0x1a8: {  	[tilespmem:v6+s15+$0x18] =	vst.idx.msk $0xffff, v9;
	v59 =	vld.idx.msk [tilespmem:v50+s11+$0x0], $0xffff  }
0x1a9: {  	v8 =	vld.idx.msk [tilespmem:v8+s11+$0x0], $0xffff;
	[tilespmem:v6+s18+$0x18] =	vst.idx.msk $0xffff, v56  }
0x1aa: {  	v61 =	vld.idx.msk [tilespmem:v36+s11+$0x0], $0xffff;
	[tilespmem:v6+s19+$0x18] =	vst.idx.msk $0xffff, v57  }
0x1ab: {  	v62 =	vld.idx.msk [tilespmem:v44+s11+$0x0], $0xffff;
	[tilespmem:v6+s17+$0x18] =	vst.idx.msk $0xffff, v55  }
0x1ac: {  	v60 =	vld.idx.msk [tilespmem:v20+s11+$0x0], $0xffff;
	[tilespmem:v6+s20+$0x18] =	vst.idx.msk $0xffff, v58  }
0x1ad: {  	[tilespmem:v6+s21+$0x18] =	vst.idx.msk $0xffff, v59;
	v63 =	vld.idx.msk [tilespmem:v49+s11+$0x0], $0xffff  }
0x1ae: {  	[tilespmem:v7+s15+$0x18] =	vst.idx.msk $0xffff, v8;
	v8 =	vld.idx.msk [tilespmem:v54+s11+$0x0], $0xffff  }
0x1af: {  	[tilespmem:v7+s18+$0x18] =	vst.idx.msk $0xffff, v61  }
0x1b0: {  	[tilespmem:v7+s19+$0x18] =	vst.idx.msk $0xffff, v62  }
0x1b1: {  	s14 =	sadd.s32 $0x1, s14;
	[tilespmem:v7+s17+$0x18] =	vst.idx.msk $0xffff, v60  }
0x1b2: {  	p0 =	sne.s32 s14, s6;
	[tilespmem:v7+s20+$0x18] =	vst.idx.msk $0xffff, v63  }
.Ltmp1:
0x1b3: {  	[tilespmem:v7+s21+$0x18] =	vst.idx.msk $0xffff, v8;
	(pc) =	sbr.rel @p0 .LBB2_1-.Ltmp1, $4  }
0x1b4: {  	[hbm4b:s5+s2] =	stream.linear.scatter [tilespmem:s12], [sflag:$0x2], $0x8000, $0x38;
	[tilespmem:$0x8800] =	vst v63  }
0x1b5: {  	_ =	swait.ge [sflag:s13], $0x8000  }
0x1b6: {  	[sflag:s13] =	ssyncset.done $0x0  }
0x1b7: {  	[sflag:s13] =	ssyncadd.s32 $0xFFFF8000  }
0x1b8: {  	_ =	sfence.sel $0x180000  }
0x1b9: {  	[bflag:$0x0] =	sbarrier.arrive $0xFFFF  }
0x1ba: {  	p0 =	sne.s32 s0, $0x0;
	_ =	strace $0x90000047  }
0x1bb: {  	s0 =	sadd.s32 @!p0 $0x100000, s1;
	[bflag:$0x2] =	sbarrier.arrive $0xFFFF  }
0x1bc: {  	[sflag:s0] =	ssyncadd.tile.s32 @!p0 $0x1;
	_ =	shalt  }
.Lfunc_end2:
_tile_overlayer_lowered:
.L_overlay_start_2:
0x1bd: {  	(tag) =	ssettag $0x2  }
0x1be: {  	s0 =	rddreg [dreg:$0x0];
	s2 =	stileid.u32  }
0x1bf: {  	s1 =	rddreg [dreg:$0x1];
	p0 =	sne.s32 s2, $0x0  }
0x1c0: {  	s3 =	rddreg [dreg:$0x2];
	[bflag:$0x3] =	sbarrier.arrive $0xFFFF;
	s2 =	simm.s32 @!p0 $0x1C02  }
0x1c1: {  	[timem:s3], [sflag:s2] =	dma.local @!p0 [hbm:s0], s1  }
0x1c2: {  	s0 =	simm.s32 @!p0 $0x2  }
0x1c3: {  	_ =	swait.ge @!p0 [sflag:s0], s1  }
0x1c4: {  	s1 =	ssub.s32 @!p0 $0x0, s1;
	[sflag:s0] =	ssyncset.done @!p0 $0x0  }
0x1c5: {  	[sflag:s0] =	ssyncadd.s32 @!p0 s1  }
0x1c6: {  	[bflag:$0x3] =	sbarrier.arrive $0xFFFF  }
0x1c7: {  	_ =	shalt  }

</sc_bundles>
